<compile_context>
chip_gen: v7x
topology: tpu7x:2x2x1
jax: 0.10.2.dev20260603
libtpu: 0.0.44.dev20260713+nightly
codegen_flags: <defaults>
</compile_context>

<pallas_src>
import functools

import jax
import jax.numpy as jnp
from jax import lax
from jax.experimental import pallas as pl
from jax.experimental.pallas import tpu as pltpu
from jax.experimental.pallas import tpu_sc as plsc

_N = 10000
_E = 320000
_D = 128
_NC = 2
_NS = 16
_NW = _NC * _NS
_EPW = _E // _NW
_C = 80
_NCHUNK = _EPW // _C
_BR = 16
_NB = _N // _BR
_BPT = _NB // _NS

_mesh = plsc.VectorSubcoreMesh(core_axis_name="c", subcore_axis_name="s")


def _sc_sum(h, src, dst):
    @functools.partial(
        pl.kernel,
        out_type=jax.ShapeDtypeStruct((_NC, _N, _D), jnp.float32),
        mesh=_mesh,
        scratch_types=[
            pltpu.VMEM((_C,), jnp.int32),
            pltpu.VMEM((_C,), jnp.int32),
            pltpu.VMEM((_C, _D), jnp.float32),
            pltpu.VMEM((_BR, _D), jnp.float32),
            pltpu.VMEM((_BR, _D), jnp.float32),
            pltpu.VMEM_SHARED((_N, _D), jnp.float32),
            pltpu.SemaphoreType.DMA,
        ],
    )
    def agg(h_hbm, src_hbm, dst_hbm, psum_hbm,
            src_v, dst_v, rows_v, z_v, wb_v, ssum, sem):
        cid = lax.axis_index("c")
        sid = lax.axis_index("s")
        wid = cid * _NS + sid

        zero16 = jnp.zeros((16,), jnp.float32)

        @pl.loop(0, _BR)
        def _(i):
            for j in range(_D // 16):
                z_v[i, pl.ds(j * 16, 16)] = zero16

        lanes = lax.iota(jnp.int32, 16)
        nblk = _BPT + (sid == 0).astype(jnp.int32)

        @pl.loop(0, nblk)
        def _(i):
            ridx = (sid + i * _NS) * _BR + lanes
            pltpu.sync_copy(z_v, ssum.at[ridx])

        plsc.subcore_barrier()

        ebase = wid * _EPW

        @pl.loop(0, _NCHUNK)
        def _(g):
            off = pl.multiple_of(ebase + g * _C, 8)
            pltpu.sync_copy(src_hbm.at[pl.ds(off, _C)], src_v)
            pltpu.sync_copy(dst_hbm.at[pl.ds(off, _C)], dst_v)
            pltpu.async_copy(h_hbm.at[src_v], rows_v, sem).wait()
            pltpu.sync_copy(rows_v, ssum.at[dst_v], add=True)

        plsc.subcore_barrier()

        @pl.loop(0, nblk)
        def _(i):
            blk = sid + i * _NS
            ridx = blk * _BR + lanes
            pltpu.async_copy(ssum.at[ridx], wb_v, sem).wait()
            pltpu.sync_copy(wb_v, psum_hbm.at[cid, pl.ds(blk * _BR, _BR)])

    return agg(h, src, dst)


def _sc_count(dst):
    @functools.partial(
        pl.kernel,
        out_type=jax.ShapeDtypeStruct((_NC, _N, _D), jnp.float32),
        mesh=_mesh,
        scratch_types=[
            pltpu.VMEM((_C,), jnp.int32),
            pltpu.VMEM((_C, _D), jnp.float32),
            pltpu.VMEM((_BR, _D), jnp.float32),
            pltpu.VMEM((_BR, _D), jnp.float32),
            pltpu.VMEM_SHARED((_N, _D), jnp.float32),
            pltpu.SemaphoreType.DMA,
        ],
    )
    def cnt(dst_hbm, pcnt_hbm, dst_v, ones_v, z_v, wb_v, scnt, sem):
        cid = lax.axis_index("c")
        sid = lax.axis_index("s")
        wid = cid * _NS + sid

        zero16 = jnp.zeros((16,), jnp.float32)
        one16 = jnp.ones((16,), jnp.float32)

        @pl.loop(0, _BR)
        def _(i):
            for j in range(_D // 16):
                z_v[i, pl.ds(j * 16, 16)] = zero16

        @pl.loop(0, _C)
        def _(i):
            for j in range(_D // 16):
                ones_v[i, pl.ds(j * 16, 16)] = one16

        lanes = lax.iota(jnp.int32, 16)
        nblk = _BPT + (sid == 0).astype(jnp.int32)

        @pl.loop(0, nblk)
        def _(i):
            ridx = (sid + i * _NS) * _BR + lanes
            pltpu.sync_copy(z_v, scnt.at[ridx])

        plsc.subcore_barrier()

        ebase = wid * _EPW

        @pl.loop(0, _NCHUNK)
        def _(g):
            off = pl.multiple_of(ebase + g * _C, 8)
            pltpu.sync_copy(dst_hbm.at[pl.ds(off, _C)], dst_v)
            pltpu.sync_copy(ones_v, scnt.at[dst_v], add=True)

        plsc.subcore_barrier()

        @pl.loop(0, nblk)
        def _(i):
            blk = sid + i * _NS
            ridx = blk * _BR + lanes
            pltpu.async_copy(scnt.at[ridx], wb_v, sem).wait()
            pltpu.sync_copy(wb_v, pcnt_hbm.at[cid, pl.ds(blk * _BR, _BR)])

    return cnt(dst)


def _tc_combine(psum, pcnt, h_target, w1t, w2t, b2):
    bn = 1000
    grid = (_N // bn,)

    def body(psum_ref, pcnt_ref, ht_ref, w1t_ref, w2t_ref, b2_ref, out_ref):
        s = psum_ref[0] + psum_ref[1]
        c = pcnt_ref[0, :, 0:1] + pcnt_ref[1, :, 0:1]
        hn = s / jnp.maximum(c, 1.0)
        o = (jnp.dot(ht_ref[...], w1t_ref[...],
                     preferred_element_type=jnp.float32)
             + jnp.dot(hn, w2t_ref[...], preferred_element_type=jnp.float32)
             + b2_ref[...])
        nrm = jnp.sqrt(jnp.sum(o * o, axis=1, keepdims=True))
        out_ref[...] = o / jnp.maximum(nrm, 1e-12)

    return pl.pallas_call(
        body,
        grid=grid,
        in_specs=[
            pl.BlockSpec((_NC, bn, _D), lambda i: (0, i, 0)),
            pl.BlockSpec((_NC, bn, _D), lambda i: (0, i, 0)),
            pl.BlockSpec((bn, _D), lambda i: (i, 0)),
            pl.BlockSpec((_D, _D), lambda i: (0, 0)),
            pl.BlockSpec((_D, _D), lambda i: (0, 0)),
            pl.BlockSpec((1, _D), lambda i: (0, 0)),
        ],
        out_specs=pl.BlockSpec((bn, _D), lambda i: (i, 0)),
        out_shape=jax.ShapeDtypeStruct((_N, _D), jnp.float32),
    )(psum, pcnt, h_target, w1t, w2t, b2)


def kernel(h, h_target, edge_index, W1, W2, b2):
    dst = edge_index[0]
    src = edge_index[1]
    psum = _sc_sum(h, src, dst)
    pcnt = _sc_count(dst)
    return _tc_combine(psum, pcnt, h_target, W1.T, W2.T, b2.reshape(1, _D))

# --- scband reference (transcript-rebuilt; emitter-appended) ---
"""Pipeline reference for scband-sage-conv-51084341018869 (READ-ONLY COPY).

The authoritative reference and input builder live on the scoring server;
editing this copy changes nothing except your own understanding.
"""

import jax, jax.numpy as jnp
import numpy as np

N = 10000
E = 320000
D = 128

def setup_inputs(seed: int = 0) -> dict:
    key = jax.random.key(seed)
    k1, k2, k3, k4, k5, k6 = jax.random.split(key, 6)
    h = jax.random.normal(k1, (N, D), dtype=jnp.float32)
    h_target = jax.random.normal(k2, (N, D), dtype=jnp.float32)
    # adj_t represented as edge_index: row 0 = dst (target node), row 1 = src (neighbor)
    edge_index = jax.random.randint(k3, (2, E), 0, N, dtype=jnp.int32)
    bound = 1.0 / np.sqrt(D)
    W1 = jax.random.uniform(k4, (D, D), minval=-bound, maxval=bound, dtype=jnp.float32)
    W2 = jax.random.uniform(k5, (D, D), minval=-bound, maxval=bound, dtype=jnp.float32)
    b2 = jax.random.uniform(k6, (D,), minval=-bound, maxval=bound, dtype=jnp.float32)
    return {"h": h, "h_target": h_target, "edge_index": edge_index, "W1": W1, "W2": W2, "b2": b2}

def reference(h, h_target, edge_index, W1, W2, b2):
    dst = edge_index[0]
    src = edge_index[1]
    # torch_sparse.matmul(adj_t, h, reduce='mean') with value=None -> mean of neighbor features per dst node
    msg = jnp.take(h, src, axis=0)
    summed = jax.ops.segment_sum(msg, dst, num_segments=N)
    cnt = jax.ops.segment_sum(jnp.ones((E,), dtype=h.dtype), dst, num_segments=N)
    h_n = summed / jnp.maximum(cnt, 1.0)[:, None]
    # linear_1(h_target) (no bias) + linear_2(h_n) (with bias)
    out = h_target @ W1.T + h_n @ W2.T + b2
    # F.normalize(out, p=2, dim=1)
    norm = jnp.linalg.norm(out, ord=2, axis=1, keepdims=True)
    return out / jnp.maximum(norm, 1e-12)

if __name__ == "__main__":
    import jax
    _d = setup_inputs()
    print(jax.jit(kernel)(*tuple(_d.values())))

</pallas_src>

<mosaic_0001>
#map = affine_map<(d0, d1) -> (0, 0)>
#map1 = affine_map<(d0, d1) -> (0)>
#map2 = affine_map<(d0, d1) -> (0, 0, 0)>
module attributes {stable_mosaic.version = 14 : i64} {
  func.func @agg(%arg0: i32, %arg1: i32, %arg2: memref<10000x128xf32, #tpu.memory_space<hbm>>, %arg3: memref<320000xi32, #tpu.memory_space<hbm>>, %arg4: memref<320000xi32, #tpu.memory_space<hbm>>, %arg5: memref<2x10000x128xf32, #tpu.memory_space<hbm>>, %arg6: memref<80xi32, #tpu.memory_space<vmem>>, %arg7: memref<80xi32, #tpu.memory_space<vmem>>, %arg8: memref<80x128xf32, #tpu.memory_space<vmem>>, %arg9: memref<16x128xf32, #tpu.memory_space<vmem>>, %arg10: memref<16x128xf32, #tpu.memory_space<vmem>>, %arg11: memref<10000x128xf32, #tpu.memory_space<vmem_shared>>, %arg12: memref<!tpu.dma_semaphore, #tpu.memory_space<semaphore_mem>>) attributes {dimension_semantics = [#tpu.dimension_semantics<core_parallel>, #tpu.dimension_semantics<subcore_parallel>], iteration_bounds = array<i64: 2, 16>, scalar_prefetch = 0 : i64, scratch_operands = 7 : i64, tpu.core_type = #tpu.core_type<sc_vector_subcore>, window_params = [{transform_indices = #map}, {transform_indices = #map1}, {transform_indices = #map1}, {transform_indices = #map2}]} {
    %mul3A = arith.constant 16 : i32
    %mul3A_0 = arith.muli %arg0, %mul3A : i32
    %add3A = arith.addi %mul3A_0, %arg1 : i32
    %broadcast_in_dim3A = arith.constant 0.000000e+00 : f32
    %broadcast_in_dim3A_1 = vector.broadcast %broadcast_in_dim3A : f32 to vector<16xf32>
    %scan3A = arith.constant 0 : i32
    %scan3A_2 = arith.constant 16 : i32
    %scan3A_3 = arith.addi %scan3A, %scan3A_2 : i32
    %scan3A_4 = arith.constant 1 : i32
    scf.for %scan3A_52 = %scan3A to %scan3A_3 step %scan3A_4  : i32 {
      %mul3A_53 = arith.constant 1 : i32
      %mul3A_54 = arith.muli %scan3A_52, %mul3A_53 : i32
      %add3A_55 = arith.constant 0 : i32
      %add3A_56 = arith.addi %add3A_55, %mul3A_54 : i32
      %swap3A = arith.index_cast %add3A_56 : i32 to index
      %swap3A_57 = arith.constant 0 : index
      %swap3A_58 = tpu.vector_load %arg9[%swap3A, %swap3A_57] {strides = array<i32>} : memref<16x128xf32, #tpu.memory_space<vmem>>, vector<1x16xf32>,
      %swap3A_59 = vector.shape_cast %swap3A_58 : vector<1x16xf32> to vector<16xf32>
      %swap3A_60 = vector.shape_cast %broadcast_in_dim3A_1 : vector<16xf32> to vector<1x16xf32>
      tpu.vector_store %arg9[%swap3A, %swap3A_57], %swap3A_60 {strides = array<i32>} : memref<16x128xf32, #tpu.memory_space<vmem>>, vector<1x16xf32>,
      %swap3A_61 = arith.index_cast %add3A_56 : i32 to index
      %swap3A_62 = arith.constant 16 : index
      %swap3A_63 = tpu.vector_load %arg9[%swap3A_61, %swap3A_62] {strides = array<i32>} : memref<16x128xf32, #tpu.memory_space<vmem>>, vector<1x16xf32>,
      %swap3A_64 = vector.shape_cast %swap3A_63 : vector<1x16xf32> to vector<16xf32>
      %swap3A_65 = vector.shape_cast %broadcast_in_dim3A_1 : vector<16xf32> to vector<1x16xf32>
      tpu.vector_store %arg9[%swap3A_61, %swap3A_62], %swap3A_65 {strides = array<i32>} : memref<16x128xf32, #tpu.memory_space<vmem>>, vector<1x16xf32>,
      %swap3A_66 = arith.index_cast %add3A_56 : i32 to index
      %swap3A_67 = arith.constant 32 : index
      %swap3A_68 = tpu.vector_load %arg9[%swap3A_66, %swap3A_67] {strides = array<i32>} : memref<16x128xf32, #tpu.memory_space<vmem>>, vector<1x16xf32>,
      %swap3A_69 = vector.shape_cast %swap3A_68 : vector<1x16xf32> to vector<16xf32>
      %swap3A_70 = vector.shape_cast %broadcast_in_dim3A_1 : vector<16xf32> to vector<1x16xf32>
      tpu.vector_store %arg9[%swap3A_66, %swap3A_67], %swap3A_70 {strides = array<i32>} : memref<16x128xf32, #tpu.memory_space<vmem>>, vector<1x16xf32>,
      %swap3A_71 = arith.index_cast %add3A_56 : i32 to index
      %swap3A_72 = arith.constant 48 : index
      %swap3A_73 = tpu.vector_load %arg9[%swap3A_71, %swap3A_72] {strides = array<i32>} : memref<16x128xf32, #tpu.memory_space<vmem>>, vector<1x16xf32>,
      %swap3A_74 = vector.shape_cast %swap3A_73 : vector<1x16xf32> to vector<16xf32>
      %swap3A_75 = vector.shape_cast %broadcast_in_dim3A_1 : vector<16xf32> to vector<1x16xf32>
      tpu.vector_store %arg9[%swap3A_71, %swap3A_72], %swap3A_75 {strides = array<i32>} : memref<16x128xf32, #tpu.memory_space<vmem>>, vector<1x16xf32>,
      %swap3A_76 = arith.index_cast %add3A_56 : i32 to index
      %swap3A_77 = arith.constant 64 : index
      %swap3A_78 = tpu.vector_load %arg9[%swap3A_76, %swap3A_77] {strides = array<i32>} : memref<16x128xf32, #tpu.memory_space<vmem>>, vector<1x16xf32>,
      %swap3A_79 = vector.shape_cast %swap3A_78 : vector<1x16xf32> to vector<16xf32>
      %swap3A_80 = vector.shape_cast %broadcast_in_dim3A_1 : vector<16xf32> to vector<1x16xf32>
      tpu.vector_store %arg9[%swap3A_76, %swap3A_77], %swap3A_80 {strides = array<i32>} : memref<16x128xf32, #tpu.memory_space<vmem>>, vector<1x16xf32>,
      %swap3A_81 = arith.index_cast %add3A_56 : i32 to index
      %swap3A_82 = arith.constant 80 : index
      %swap3A_83 = tpu.vector_load %arg9[%swap3A_81, %swap3A_82] {strides = array<i32>} : memref<16x128xf32, #tpu.memory_space<vmem>>, vector<1x16xf32>,
      %swap3A_84 = vector.shape_cast %swap3A_83 : vector<1x16xf32> to vector<16xf32>
      %swap3A_85 = vector.shape_cast %broadcast_in_dim3A_1 : vector<16xf32> to vector<1x16xf32>
      tpu.vector_store %arg9[%swap3A_81, %swap3A_82], %swap3A_85 {strides = array<i32>} : memref<16x128xf32, #tpu.memory_space<vmem>>, vector<1x16xf32>,
      %swap3A_86 = arith.index_cast %add3A_56 : i32 to index
      %swap3A_87 = arith.constant 96 : index
      %swap3A_88 = tpu.vector_load %arg9[%swap3A_86, %swap3A_87] {strides = array<i32>} : memref<16x128xf32, #tpu.memory_space<vmem>>, vector<1x16xf32>,
      %swap3A_89 = vector.shape_cast %swap3A_88 : vector<1x16xf32> to vector<16xf32>
      %swap3A_90 = vector.shape_cast %broadcast_in_dim3A_1 : vector<16xf32> to vector<1x16xf32>
      tpu.vector_store %arg9[%swap3A_86, %swap3A_87], %swap3A_90 {strides = array<i32>} : memref<16x128xf32, #tpu.memory_space<vmem>>, vector<1x16xf32>,
      %swap3A_91 = arith.index_cast %add3A_56 : i32 to index
      %swap3A_92 = arith.constant 112 : index
      %swap3A_93 = tpu.vector_load %arg9[%swap3A_91, %swap3A_92] {strides = array<i32>} : memref<16x128xf32, #tpu.memory_space<vmem>>, vector<1x16xf32>,
      %swap3A_94 = vector.shape_cast %swap3A_93 : vector<1x16xf32> to vector<16xf32>
      %swap3A_95 = vector.shape_cast %broadcast_in_dim3A_1 : vector<16xf32> to vector<1x16xf32>
      tpu.vector_store %arg9[%swap3A_91, %swap3A_92], %swap3A_95 {strides = array<i32>} : memref<16x128xf32, #tpu.memory_space<vmem>>, vector<1x16xf32>,
    }
    %scan3A_5 = arith.constant 16 : i32
    %iota3A = tpu.iota {dimensions = array<i32: 0>} : vector<16xi32>
    %eq3A = arith.constant 0 : i32
    %eq3A_6 = arith.cmpi eq, %arg1, %eq3A : i32
    %convert_element_type3A = arith.extui %eq3A_6 : i1 to i32
    %add3A_7 = arith.constant 39 : i32
    %add3A_8 = arith.addi %add3A_7, %convert_element_type3A : i32
    %sub3A = arith.constant 0 : i32
    %sub3A_9 = arith.subi %add3A_8, %sub3A : i32
    %sub3A_10 = arith.constant 1 : i32
    %sub3A_11 = arith.constant 1 : i32
    %sub3A_12 = arith.subi %sub3A_10, %sub3A_11 : i32
    %add3A_13 = arith.addi %sub3A_9, %sub3A_12 : i32
    %div3A = arith.constant 1 : i32
    %div3A_14 = arith.divsi %add3A_13, %div3A : i32
    %while3A = arith.constant 1 : i32
    %while3A_15 = arith.constant 0 : i32
    %while3A_16 = arith.constant 0 : i32
    %while3A_17 = arith.subi %div3A_14, %while3A_16 : i32
    %while3A_18 = arith.addi %while3A_16, %while3A_17 : i32
    %while3A_19 = arith.constant 1 : i32
    %while3A_20 = arith.divsi %while3A_17, %while3A_19 : i32
    %while3A_21 = arith.muli %while3A_20, %while3A_19 : i32
    %while3A_22 = arith.addi %while3A_16, %while3A_21 : i32
    %while3A_23 = arith.constant 1 : i32
    scf.for %while3A_52 = %while3A_16 to %while3A_22 step %while3A_23  : i32 {
      %mul3A_53 = arith.muli %while3A_52, %while3A : i32
      %add3A_54 = arith.addi %while3A_15, %mul3A_53 : i32
      %mul3A_55 = arith.constant 16 : i32
      %mul3A_56 = arith.muli %add3A_54, %mul3A_55 : i32
      %add3A_57 = arith.addi %arg1, %mul3A_56 : i32
      %mul3A_58 = arith.constant 16 : i32
      %mul3A_59 = arith.muli %add3A_57, %mul3A_58 : i32
      %add3A_60 = vector.broadcast %mul3A_59 : i32 to vector<16xi32>
      %add3A_61 = arith.addi %add3A_60, %iota3A : vector<16xi32>
      "tpu.region"() ({
        %run_scoped3A = tpu.sem_alloc : memref<!tpu.dma_semaphore, #tpu.memory_space<semaphore_mem>>
        %dma_start3A = arith.constant 0 : i32
        %dma_start3A_62 = arith.constant 0 : i32
        %dma_start3A_63 = tpu.memref_slice %arg11[%dma_start3A, %dma_start3A_62] : memref<10000x128xf32, #tpu.memory_space<vmem_shared>> -> memref<10000x128xf32, #tpu.memory_space<vmem_shared>>
        tpu.enqueue_indirect_dma source(%arg9 : memref<16x128xf32, #tpu.memory_space<vmem>>) target(%dma_start3A_63 : memref<10000x128xf32, #tpu.memory_space<vmem_shared>>) offsets(%add3A_61 : vector<16xi32>) semaphore(%run_scoped3A : memref<!tpu.dma_semaphore, #tpu.memory_space<semaphore_mem>>)
        %dma_wait3A = arith.constant 0 : i32
        %dma_wait3A_64 = arith.constant 0 : i32
        %dma_wait3A_65 = tpu.memref_slice %arg11[%dma_wait3A, %dma_wait3A_64] : memref<10000x128xf32, #tpu.memory_space<vmem_shared>> -> memref<10000x128xf32, #tpu.memory_space<vmem_shared>>
        tpu.wait_indirect_dma semaphore(%run_scoped3A : memref<!tpu.dma_semaphore, #tpu.memory_space<semaphore_mem>>) src(%arg9 : memref<16x128xf32, #tpu.memory_space<vmem>>) dst(%dma_wait3A_65 : memref<10000x128xf32, #tpu.memory_space<vmem_shared>>)
        tpu.yield
      }) : () -> ()
    }
    %while3A_24 = arith.constant 1 : i32
    scf.for %while3A_52 = %while3A_22 to %while3A_18 step %while3A_24  : i32 {
      %mul3A_53 = arith.muli %while3A_52, %while3A : i32
      %add3A_54 = arith.addi %while3A_15, %mul3A_53 : i32
      %mul3A_55 = arith.constant 16 : i32
      %mul3A_56 = arith.muli %add3A_54, %mul3A_55 : i32
      %add3A_57 = arith.addi %arg1, %mul3A_56 : i32
      %mul3A_58 = arith.constant 16 : i32
      %mul3A_59 = arith.muli %add3A_57, %mul3A_58 : i32
      %add3A_60 = vector.broadcast %mul3A_59 : i32 to vector<16xi32>
      %add3A_61 = arith.addi %add3A_60, %iota3A : vector<16xi32>
      "tpu.region"() ({
        %run_scoped3A = tpu.sem_alloc : memref<!tpu.dma_semaphore, #tpu.memory_space<semaphore_mem>>
        %dma_start3A = arith.constant 0 : i32
        %dma_start3A_62 = arith.constant 0 : i32
        %dma_start3A_63 = tpu.memref_slice %arg11[%dma_start3A, %dma_start3A_62] : memref<10000x128xf32, #tpu.memory_space<vmem_shared>> -> memref<10000x128xf32, #tpu.memory_space<vmem_shared>>
        tpu.enqueue_indirect_dma source(%arg9 : memref<16x128xf32, #tpu.memory_space<vmem>>) target(%dma_start3A_63 : memref<10000x128xf32, #tpu.memory_space<vmem_shared>>) offsets(%add3A_61 : vector<16xi32>) semaphore(%run_scoped3A : memref<!tpu.dma_semaphore, #tpu.memory_space<semaphore_mem>>)
        %dma_wait3A = arith.constant 0 : i32
        %dma_wait3A_64 = arith.constant 0 : i32
        %dma_wait3A_65 = tpu.memref_slice %arg11[%dma_wait3A, %dma_wait3A_64] : memref<10000x128xf32, #tpu.memory_space<vmem_shared>> -> memref<10000x128xf32, #tpu.memory_space<vmem_shared>>
        tpu.wait_indirect_dma semaphore(%run_scoped3A : memref<!tpu.dma_semaphore, #tpu.memory_space<semaphore_mem>>) src(%arg9 : memref<16x128xf32, #tpu.memory_space<vmem>>) dst(%dma_wait3A_65 : memref<10000x128xf32, #tpu.memory_space<vmem_shared>>)
        tpu.yield
      }) : () -> ()
    }
    %barrier3A = arith.constant 0 : index
    tpu.barrier barrier_id(%barrier3A)
    %mul3A_25 = arith.constant 10000 : i32
    %mul3A_26 = arith.muli %add3A, %mul3A_25 : i32
    %scan3A_27 = arith.constant 0 : i32
    %scan3A_28 = arith.constant 125 : i32
    %scan3A_29 = arith.addi %scan3A_27, %scan3A_28 : i32
    %scan3A_30 = arith.constant 1 : i32
    scf.for %scan3A_52 = %scan3A_27 to %scan3A_29 step %scan3A_30  : i32 {
      %mul3A_53 = arith.constant 1 : i32
      %mul3A_54 = arith.muli %scan3A_52, %mul3A_53 : i32
      %add3A_55 = arith.constant 0 : i32
      %add3A_56 = arith.addi %add3A_55, %mul3A_54 : i32
      %mul3A_57 = arith.constant 80 : i32
      %mul3A_58 = arith.muli %add3A_56, %mul3A_57 : i32
      %add3A_59 = arith.addi %mul3A_26, %mul3A_58 : i32
      %multiple_of3A = tpu.assume_multiple %add3A_59, 8 : i32
      "tpu.region"() ({
        %run_scoped3A = tpu.sem_alloc : memref<!tpu.dma_semaphore, #tpu.memory_space<semaphore_mem>>
        %dma_start3A_64 = tpu.memref_slice %arg3[%multiple_of3A] : memref<320000xi32, #tpu.memory_space<hbm>> -> memref<80xi32, #tpu.memory_space<hbm>>
        %dma_start3A_65 = tpu.memref_slice %arg3[%multiple_of3A] : memref<320000xi32, #tpu.memory_space<hbm>> -> memref<80xi32, #tpu.memory_space<hbm>>
        tpu.enqueue_dma source(%dma_start3A_65 : memref<80xi32, #tpu.memory_space<hbm>>) target(%arg6 : memref<80xi32, #tpu.memory_space<vmem>>) target_semaphore(%run_scoped3A : memref<!tpu.dma_semaphore, #tpu.memory_space<semaphore_mem>>)
        %dma_wait3A_66 = tpu.memref_slice %arg3[%multiple_of3A] : memref<320000xi32, #tpu.memory_space<hbm>> -> memref<80xi32, #tpu.memory_space<hbm>>
        %dma_wait3A_67 = tpu.memref_slice %arg3[%multiple_of3A] : memref<320000xi32, #tpu.memory_space<hbm>> -> memref<80xi32, #tpu.memory_space<hbm>>
        tpu.wait_dma2 semaphore(%run_scoped3A : memref<!tpu.dma_semaphore, #tpu.memory_space<semaphore_mem>>) src(%dma_wait3A_67 : memref<80xi32, #tpu.memory_space<hbm>>) dst(%arg6 : memref<80xi32, #tpu.memory_space<vmem>>)
        tpu.yield
      }) : () -> ()
      "tpu.region"() ({
        %run_scoped3A = tpu.sem_alloc : memref<!tpu.dma_semaphore, #tpu.memory_space<semaphore_mem>>
        %dma_start3A_64 = tpu.memref_slice %arg4[%multiple_of3A] : memref<320000xi32, #tpu.memory_space<hbm>> -> memref<80xi32, #tpu.memory_space<hbm>>
        %dma_start3A_65 = tpu.memref_slice %arg4[%multiple_of3A] : memref<320000xi32, #tpu.memory_space<hbm>> -> memref<80xi32, #tpu.memory_space<hbm>>
        tpu.enqueue_dma source(%dma_start3A_65 : memref<80xi32, #tpu.memory_space<hbm>>) target(%arg7 : memref<80xi32, #tpu.memory_space<vmem>>) target_semaphore(%run_scoped3A : memref<!tpu.dma_semaphore, #tpu.memory_space<semaphore_mem>>)
        %dma_wait3A_66 = tpu.memref_slice %arg4[%multiple_of3A] : memref<320000xi32, #tpu.memory_space<hbm>> -> memref<80xi32, #tpu.memory_space<hbm>>
        %dma_wait3A_67 = tpu.memref_slice %arg4[%multiple_of3A] : memref<320000xi32, #tpu.memory_space<hbm>> -> memref<80xi32, #tpu.memory_space<hbm>>
        tpu.wait_dma2 semaphore(%run_scoped3A : memref<!tpu.dma_semaphore, #tpu.memory_space<semaphore_mem>>) src(%dma_wait3A_67 : memref<80xi32, #tpu.memory_space<hbm>>) dst(%arg7 : memref<80xi32, #tpu.memory_space<vmem>>)
        tpu.yield
      }) : () -> ()
      %dma_start3A = arith.constant 0 : i32
      %dma_start3A_60 = arith.constant 0 : i32
      %dma_start3A_61 = tpu.memref_slice %arg2[%dma_start3A, %dma_start3A_60] : memref<10000x128xf32, #tpu.memory_space<hbm>> -> memref<10000x128xf32, #tpu.memory_space<hbm>>
      tpu.enqueue_indirect_dma source(%dma_start3A_61 : memref<10000x128xf32, #tpu.memory_space<hbm>>) target(%arg8 : memref<80x128xf32, #tpu.memory_space<vmem>>) offsets(%arg6 : memref<80xi32, #tpu.memory_space<vmem>>) semaphore(%arg12 : memref<!tpu.dma_semaphore, #tpu.memory_space<semaphore_mem>>)
      %dma_wait3A = arith.constant 0 : i32
      %dma_wait3A_62 = arith.constant 0 : i32
      %dma_wait3A_63 = tpu.memref_slice %arg2[%dma_wait3A, %dma_wait3A_62] : memref<10000x128xf32, #tpu.memory_space<hbm>> -> memref<10000x128xf32, #tpu.memory_space<hbm>>
      tpu.wait_indirect_dma semaphore(%arg12 : memref<!tpu.dma_semaphore, #tpu.memory_space<semaphore_mem>>) src(%dma_wait3A_63 : memref<10000x128xf32, #tpu.memory_space<hbm>>) dst(%arg8 : memref<80x128xf32, #tpu.memory_space<vmem>>)
      "tpu.region"() ({
        %run_scoped3A = tpu.sem_alloc : memref<!tpu.dma_semaphore, #tpu.memory_space<semaphore_mem>>
        %dma_start3A_64 = arith.constant 0 : i32
        %dma_start3A_65 = arith.constant 0 : i32
        %dma_start3A_66 = tpu.memref_slice %arg11[%dma_start3A_64, %dma_start3A_65] : memref<10000x128xf32, #tpu.memory_space<vmem_shared>> -> memref<10000x128xf32, #tpu.memory_space<vmem_shared>>
        tpu.enqueue_indirect_dma source(%arg8 : memref<80x128xf32, #tpu.memory_space<vmem>>) target(%dma_start3A_66 : memref<10000x128xf32, #tpu.memory_space<vmem_shared>>) offsets(%arg7 : memref<80xi32, #tpu.memory_space<vmem>>) semaphore(%run_scoped3A : memref<!tpu.dma_semaphore, #tpu.memory_space<semaphore_mem>>) {add = true}
        %dma_wait3A_67 = arith.constant 0 : i32
        %dma_wait3A_68 = arith.constant 0 : i32
        %dma_wait3A_69 = tpu.memref_slice %arg11[%dma_wait3A_67, %dma_wait3A_68] : memref<10000x128xf32, #tpu.memory_space<vmem_shared>> -> memref<10000x128xf32, #tpu.memory_space<vmem_shared>>
        tpu.wait_indirect_dma semaphore(%run_scoped3A : memref<!tpu.dma_semaphore, #tpu.memory_space<semaphore_mem>>) src(%arg8 : memref<80x128xf32, #tpu.memory_space<vmem>>) dst(%dma_wait3A_69 : memref<10000x128xf32, #tpu.memory_space<vmem_shared>>)
        tpu.yield
      }) : () -> ()
    }
    %scan3A_31 = arith.constant 125 : i32
    %barrier3A_32 = arith.constant 0 : index
    tpu.barrier barrier_id(%barrier3A_32)
    %sub3A_33 = arith.constant 0 : i32
    %sub3A_34 = arith.subi %add3A_8, %sub3A_33 : i32
    %sub3A_35 = arith.constant 1 : i32
    %sub3A_36 = arith.constant 1 : i32
    %sub3A_37 = arith.subi %sub3A_35, %sub3A_36 : i32
    %add3A_38 = arith.addi %sub3A_34, %sub3A_37 : i32
    %div3A_39 = arith.constant 1 : i32
    %div3A_40 = arith.divsi %add3A_38, %div3A_39 : i32
    %while3A_41 = arith.constant 1 : i32
    %while3A_42 = arith.constant 0 : i32
    %while3A_43 = arith.constant 0 : i32
    %while3A_44 = arith.subi %div3A_40, %while3A_43 : i32
    %while3A_45 = arith.addi %while3A_43, %while3A_44 : i32
    %while3A_46 = arith.constant 1 : i32
    %while3A_47 = arith.divsi %while3A_44, %while3A_46 : i32
    %while3A_48 = arith.muli %while3A_47, %while3A_46 : i32
    %while3A_49 = arith.addi %while3A_43, %while3A_48 : i32
    %while3A_50 = arith.constant 1 : i32
    scf.for %while3A_52 = %while3A_43 to %while3A_49 step %while3A_50  : i32 {
      %mul3A_53 = arith.muli %while3A_52, %while3A_41 : i32
      %add3A_54 = arith.addi %while3A_42, %mul3A_53 : i32
      %mul3A_55 = arith.constant 16 : i32
      %mul3A_56 = arith.muli %add3A_54, %mul3A_55 : i32
      %add3A_57 = arith.addi %arg1, %mul3A_56 : i32
      %mul3A_58 = arith.constant 16 : i32
      %mul3A_59 = arith.muli %add3A_57, %mul3A_58 : i32
      %add3A_60 = vector.broadcast %mul3A_59 : i32 to vector<16xi32>
      %add3A_61 = arith.addi %add3A_60, %iota3A : vector<16xi32>
      %dma_start3A = arith.constant 0 : i32
      %dma_start3A_62 = arith.constant 0 : i32
      %dma_start3A_63 = tpu.memref_slice %arg11[%dma_start3A, %dma_start3A_62] : memref<10000x128xf32, #tpu.memory_space<vmem_shared>> -> memref<10000x128xf32, #tpu.memory_space<vmem_shared>>
      tpu.enqueue_indirect_dma source(%dma_start3A_63 : memref<10000x128xf32, #tpu.memory_space<vmem_shared>>) target(%arg10 : memref<16x128xf32, #tpu.memory_space<vmem>>) offsets(%add3A_61 : vector<16xi32>) semaphore(%arg12 : memref<!tpu.dma_semaphore, #tpu.memory_space<semaphore_mem>>)
      %dma_wait3A = arith.constant 0 : i32
      %dma_wait3A_64 = arith.constant 0 : i32
      %dma_wait3A_65 = tpu.memref_slice %arg11[%dma_wait3A, %dma_wait3A_64] : memref<10000x128xf32, #tpu.memory_space<vmem_shared>> -> memref<10000x128xf32, #tpu.memory_space<vmem_shared>>
      tpu.wait_indirect_dma semaphore(%arg12 : memref<!tpu.dma_semaphore, #tpu.memory_space<semaphore_mem>>) src(%dma_wait3A_65 : memref<10000x128xf32, #tpu.memory_space<vmem_shared>>) dst(%arg10 : memref<16x128xf32, #tpu.memory_space<vmem>>)
      %mul3A_66 = arith.constant 16 : i32
      %mul3A_67 = arith.muli %add3A_57, %mul3A_66 : i32
      "tpu.region"() ({
        %run_scoped3A = tpu.sem_alloc : memref<!tpu.dma_semaphore, #tpu.memory_space<semaphore_mem>>
        %dma_start3A_68 = arith.constant 0 : i32
        %dma_start3A_69 = tpu.memref_slice %arg5[%arg0, %mul3A_67, %dma_start3A_68] : memref<2x10000x128xf32, #tpu.memory_space<hbm>> -> memref<1x16x128xf32, #tpu.memory_space<hbm>>
        %dma_start3A_70 = tpu.memref_squeeze %dma_start3A_69 : memref<1x16x128xf32, #tpu.memory_space<hbm>> -> memref<16x128xf32, #tpu.memory_space<hbm>>
        %dma_start3A_71 = arith.constant 0 : i32
        %dma_start3A_72 = tpu.memref_slice %arg5[%arg0, %mul3A_67, %dma_start3A_71] : memref<2x10000x128xf32, #tpu.memory_space<hbm>> -> memref<1x16x128xf32, #tpu.memory_space<hbm>>
        %dma_start3A_73 = tpu.memref_squeeze %dma_start3A_72 : memref<1x16x128xf32, #tpu.memory_space<hbm>> -> memref<16x128xf32, #tpu.memory_space<hbm>>
        tpu.enqueue_dma source(%arg10 : memref<16x128xf32, #tpu.memory_space<vmem>>) target(%dma_start3A_73 : memref<16x128xf32, #tpu.memory_space<hbm>>) target_semaphore(%run_scoped3A : memref<!tpu.dma_semaphore, #tpu.memory_space<semaphore_mem>>)
        %dma_wait3A_74 = arith.constant 0 : i32
        %dma_wait3A_75 = tpu.memref_slice %arg5[%arg0, %mul3A_67, %dma_wait3A_74] : memref<2x10000x128xf32, #tpu.memory_space<hbm>> -> memref<1x16x128xf32, #tpu.memory_space<hbm>>
        %dma_wait3A_76 = tpu.memref_squeeze %dma_wait3A_75 : memref<1x16x128xf32, #tpu.memory_space<hbm>> -> memref<16x128xf32, #tpu.memory_space<hbm>>
        %dma_wait3A_77 = arith.constant 0 : i32
        %dma_wait3A_78 = tpu.memref_slice %arg5[%arg0, %mul3A_67, %dma_wait3A_77] : memref<2x10000x128xf32, #tpu.memory_space<hbm>> -> memref<1x16x128xf32, #tpu.memory_space<hbm>>
        %dma_wait3A_79 = tpu.memref_squeeze %dma_wait3A_78 : memref<1x16x128xf32, #tpu.memory_space<hbm>> -> memref<16x128xf32, #tpu.memory_space<hbm>>
        tpu.wait_dma2 semaphore(%run_scoped3A : memref<!tpu.dma_semaphore, #tpu.memory_space<semaphore_mem>>) src(%arg10 : memref<16x128xf32, #tpu.memory_space<vmem>>) dst(%dma_wait3A_79 : memref<16x128xf32, #tpu.memory_space<hbm>>)
        tpu.yield
      }) : () -> ()
    }
    %while3A_51 = arith.constant 1 : i32
    scf.for %while3A_52 = %while3A_49 to %while3A_45 step %while3A_51  : i32 {
      %mul3A_53 = arith.muli %while3A_52, %while3A_41 : i32
      %add3A_54 = arith.addi %while3A_42, %mul3A_53 : i32
      %mul3A_55 = arith.constant 16 : i32
      %mul3A_56 = arith.muli %add3A_54, %mul3A_55 : i32
      %add3A_57 = arith.addi %arg1, %mul3A_56 : i32
      %mul3A_58 = arith.constant 16 : i32
      %mul3A_59 = arith.muli %add3A_57, %mul3A_58 : i32
      %add3A_60 = vector.broadcast %mul3A_59 : i32 to vector<16xi32>
      %add3A_61 = arith.addi %add3A_60, %iota3A : vector<16xi32>
      %dma_start3A = arith.constant 0 : i32
      %dma_start3A_62 = arith.constant 0 : i32
      %dma_start3A_63 = tpu.memref_slice %arg11[%dma_start3A, %dma_start3A_62] : memref<10000x128xf32, #tpu.memory_space<vmem_shared>> -> memref<10000x128xf32, #tpu.memory_space<vmem_shared>>
      tpu.enqueue_indirect_dma source(%dma_start3A_63 : memref<10000x128xf32, #tpu.memory_space<vmem_shared>>) target(%arg10 : memref<16x128xf32, #tpu.memory_space<vmem>>) offsets(%add3A_61 : vector<16xi32>) semaphore(%arg12 : memref<!tpu.dma_semaphore, #tpu.memory_space<semaphore_mem>>)
      %dma_wait3A = arith.constant 0 : i32
      %dma_wait3A_64 = arith.constant 0 : i32
      %dma_wait3A_65 = tpu.memref_slice %arg11[%dma_wait3A, %dma_wait3A_64] : memref<10000x128xf32, #tpu.memory_space<vmem_shared>> -> memref<10000x128xf32, #tpu.memory_space<vmem_shared>>
      tpu.wait_indirect_dma semaphore(%arg12 : memref<!tpu.dma_semaphore, #tpu.memory_space<semaphore_mem>>) src(%dma_wait3A_65 : memref<10000x128xf32, #tpu.memory_space<vmem_shared>>) dst(%arg10 : memref<16x128xf32, #tpu.memory_space<vmem>>)
      %mul3A_66 = arith.constant 16 : i32
      %mul3A_67 = arith.muli %add3A_57, %mul3A_66 : i32
      "tpu.region"() ({
        %run_scoped3A = tpu.sem_alloc : memref<!tpu.dma_semaphore, #tpu.memory_space<semaphore_mem>>
        %dma_start3A_68 = arith.constant 0 : i32
        %dma_start3A_69 = tpu.memref_slice %arg5[%arg0, %mul3A_67, %dma_start3A_68] : memref<2x10000x128xf32, #tpu.memory_space<hbm>> -> memref<1x16x128xf32, #tpu.memory_space<hbm>>
        %dma_start3A_70 = tpu.memref_squeeze %dma_start3A_69 : memref<1x16x128xf32, #tpu.memory_space<hbm>> -> memref<16x128xf32, #tpu.memory_space<hbm>>
        %dma_start3A_71 = arith.constant 0 : i32
        %dma_start3A_72 = tpu.memref_slice %arg5[%arg0, %mul3A_67, %dma_start3A_71] : memref<2x10000x128xf32, #tpu.memory_space<hbm>> -> memref<1x16x128xf32, #tpu.memory_space<hbm>>
        %dma_start3A_73 = tpu.memref_squeeze %dma_start3A_72 : memref<1x16x128xf32, #tpu.memory_space<hbm>> -> memref<16x128xf32, #tpu.memory_space<hbm>>
        tpu.enqueue_dma source(%arg10 : memref<16x128xf32, #tpu.memory_space<vmem>>) target(%dma_start3A_73 : memref<16x128xf32, #tpu.memory_space<hbm>>) target_semaphore(%run_scoped3A : memref<!tpu.dma_semaphore, #tpu.memory_space<semaphore_mem>>)
        %dma_wait3A_74 = arith.constant 0 : i32
        %dma_wait3A_75 = tpu.memref_slice %arg5[%arg0, %mul3A_67, %dma_wait3A_74] : memref<2x10000x128xf32, #tpu.memory_space<hbm>> -> memref<1x16x128xf32, #tpu.memory_space<hbm>>
        %dma_wait3A_76 = tpu.memref_squeeze %dma_wait3A_75 : memref<1x16x128xf32, #tpu.memory_space<hbm>> -> memref<16x128xf32, #tpu.memory_space<hbm>>
        %dma_wait3A_77 = arith.constant 0 : i32
        %dma_wait3A_78 = tpu.memref_slice %arg5[%arg0, %mul3A_67, %dma_wait3A_77] : memref<2x10000x128xf32, #tpu.memory_space<hbm>> -> memref<1x16x128xf32, #tpu.memory_space<hbm>>
        %dma_wait3A_79 = tpu.memref_squeeze %dma_wait3A_78 : memref<1x16x128xf32, #tpu.memory_space<hbm>> -> memref<16x128xf32, #tpu.memory_space<hbm>>
        tpu.wait_dma2 semaphore(%run_scoped3A : memref<!tpu.dma_semaphore, #tpu.memory_space<semaphore_mem>>) src(%arg10 : memref<16x128xf32, #tpu.memory_space<vmem>>) dst(%dma_wait3A_79 : memref<16x128xf32, #tpu.memory_space<hbm>>)
        tpu.yield
      }) : () -> ()
    }
    return
  }
}

#map = affine_map<(d0, d1) -> (0)>
#map1 = affine_map<(d0, d1) -> (0, 0, 0)>
module attributes {stable_mosaic.version = 14 : i64} {
  func.func @cnt(%arg0: i32, %arg1: i32, %arg2: memref<320000xi32, #tpu.memory_space<hbm>>, %arg3: memref<2x10000x128xf32, #tpu.memory_space<hbm>>, %arg4: memref<80xi32, #tpu.memory_space<vmem>>, %arg5: memref<80x128xf32, #tpu.memory_space<vmem>>, %arg6: memref<16x128xf32, #tpu.memory_space<vmem>>, %arg7: memref<16x128xf32, #tpu.memory_space<vmem>>, %arg8: memref<10000x128xf32, #tpu.memory_space<vmem_shared>>, %arg9: memref<!tpu.dma_semaphore, #tpu.memory_space<semaphore_mem>>) attributes {dimension_semantics = [#tpu.dimension_semantics<core_parallel>, #tpu.dimension_semantics<subcore_parallel>], iteration_bounds = array<i64: 2, 16>, scalar_prefetch = 0 : i64, scratch_operands = 6 : i64, tpu.core_type = #tpu.core_type<sc_vector_subcore>, window_params = [{transform_indices = #map}, {transform_indices = #map1}]} {
    %mul3A = arith.constant 16 : i32
    %mul3A_0 = arith.muli %arg0, %mul3A : i32
    %add3A = arith.addi %mul3A_0, %arg1 : i32
    %broadcast_in_dim3A = arith.constant 0.000000e+00 : f32
    %broadcast_in_dim3A_1 = vector.broadcast %broadcast_in_dim3A : f32 to vector<16xf32>
    %broadcast_in_dim3A_2 = arith.constant 1.000000e+00 : f32
    %broadcast_in_dim3A_3 = vector.broadcast %broadcast_in_dim3A_2 : f32 to vector<16xf32>
    %scan3A = arith.constant 0 : i32
    %scan3A_4 = arith.constant 16 : i32
    %scan3A_5 = arith.addi %scan3A, %scan3A_4 : i32
    %scan3A_6 = arith.constant 1 : i32
    scf.for %scan3A_59 = %scan3A to %scan3A_5 step %scan3A_6  : i32 {
      %mul3A_60 = arith.constant 1 : i32
      %mul3A_61 = arith.muli %scan3A_59, %mul3A_60 : i32
      %add3A_62 = arith.constant 0 : i32
      %add3A_63 = arith.addi %add3A_62, %mul3A_61 : i32
      %swap3A = arith.index_cast %add3A_63 : i32 to index
      %swap3A_64 = arith.constant 0 : index
      %swap3A_65 = tpu.vector_load %arg6[%swap3A, %swap3A_64] {strides = array<i32>} : memref<16x128xf32, #tpu.memory_space<vmem>>, vector<1x16xf32>,
      %swap3A_66 = vector.shape_cast %swap3A_65 : vector<1x16xf32> to vector<16xf32>
      %swap3A_67 = vector.shape_cast %broadcast_in_dim3A_1 : vector<16xf32> to vector<1x16xf32>
      tpu.vector_store %arg6[%swap3A, %swap3A_64], %swap3A_67 {strides = array<i32>} : memref<16x128xf32, #tpu.memory_space<vmem>>, vector<1x16xf32>,
      %swap3A_68 = arith.index_cast %add3A_63 : i32 to index
      %swap3A_69 = arith.constant 16 : index
      %swap3A_70 = tpu.vector_load %arg6[%swap3A_68, %swap3A_69] {strides = array<i32>} : memref<16x128xf32, #tpu.memory_space<vmem>>, vector<1x16xf32>,
      %swap3A_71 = vector.shape_cast %swap3A_70 : vector<1x16xf32> to vector<16xf32>
      %swap3A_72 = vector.shape_cast %broadcast_in_dim3A_1 : vector<16xf32> to vector<1x16xf32>
      tpu.vector_store %arg6[%swap3A_68, %swap3A_69], %swap3A_72 {strides = array<i32>} : memref<16x128xf32, #tpu.memory_space<vmem>>, vector<1x16xf32>,
      %swap3A_73 = arith.index_cast %add3A_63 : i32 to index
      %swap3A_74 = arith.constant 32 : index
      %swap3A_75 = tpu.vector_load %arg6[%swap3A_73, %swap3A_74] {strides = array<i32>} : memref<16x128xf32, #tpu.memory_space<vmem>>, vector<1x16xf32>,
      %swap3A_76 = vector.shape_cast %swap3A_75 : vector<1x16xf32> to vector<16xf32>
      %swap3A_77 = vector.shape_cast %broadcast_in_dim3A_1 : vector<16xf32> to vector<1x16xf32>
      tpu.vector_store %arg6[%swap3A_73, %swap3A_74], %swap3A_77 {strides = array<i32>} : memref<16x128xf32, #tpu.memory_space<vmem>>, vector<1x16xf32>,
      %swap3A_78 = arith.index_cast %add3A_63 : i32 to index
      %swap3A_79 = arith.constant 48 : index
      %swap3A_80 = tpu.vector_load %arg6[%swap3A_78, %swap3A_79] {strides = array<i32>} : memref<16x128xf32, #tpu.memory_space<vmem>>, vector<1x16xf32>,
      %swap3A_81 = vector.shape_cast %swap3A_80 : vector<1x16xf32> to vector<16xf32>
      %swap3A_82 = vector.shape_cast %broadcast_in_dim3A_1 : vector<16xf32> to vector<1x16xf32>
      tpu.vector_store %arg6[%swap3A_78, %swap3A_79], %swap3A_82 {strides = array<i32>} : memref<16x128xf32, #tpu.memory_space<vmem>>, vector<1x16xf32>,
      %swap3A_83 = arith.index_cast %add3A_63 : i32 to index
      %swap3A_84 = arith.constant 64 : index
      %swap3A_85 = tpu.vector_load %arg6[%swap3A_83, %swap3A_84] {strides = array<i32>} : memref<16x128xf32, #tpu.memory_space<vmem>>, vector<1x16xf32>,
      %swap3A_86 = vector.shape_cast %swap3A_85 : vector<1x16xf32> to vector<16xf32>
      %swap3A_87 = vector.shape_cast %broadcast_in_dim3A_1 : vector<16xf32> to vector<1x16xf32>
      tpu.vector_store %arg6[%swap3A_83, %swap3A_84], %swap3A_87 {strides = array<i32>} : memref<16x128xf32, #tpu.memory_space<vmem>>, vector<1x16xf32>,
      %swap3A_88 = arith.index_cast %add3A_63 : i32 to index
      %swap3A_89 = arith.constant 80 : index
      %swap3A_90 = tpu.vector_load %arg6[%swap3A_88, %swap3A_89] {strides = array<i32>} : memref<16x128xf32, #tpu.memory_space<vmem>>, vector<1x16xf32>,
      %swap3A_91 = vector.shape_cast %swap3A_90 : vector<1x16xf32> to vector<16xf32>
      %swap3A_92 = vector.shape_cast %broadcast_in_dim3A_1 : vector<16xf32> to vector<1x16xf32>
      tpu.vector_store %arg6[%swap3A_88, %swap3A_89], %swap3A_92 {strides = array<i32>} : memref<16x128xf32, #tpu.memory_space<vmem>>, vector<1x16xf32>,
      %swap3A_93 = arith.index_cast %add3A_63 : i32 to index
      %swap3A_94 = arith.constant 96 : index
      %swap3A_95 = tpu.vector_load %arg6[%swap3A_93, %swap3A_94] {strides = array<i32>} : memref<16x128xf32, #tpu.memory_space<vmem>>, vector<1x16xf32>,
      %swap3A_96 = vector.shape_cast %swap3A_95 : vector<1x16xf32> to vector<16xf32>
      %swap3A_97 = vector.shape_cast %broadcast_in_dim3A_1 : vector<16xf32> to vector<1x16xf32>
      tpu.vector_store %arg6[%swap3A_93, %swap3A_94], %swap3A_97 {strides = array<i32>} : memref<16x128xf32, #tpu.memory_space<vmem>>, vector<1x16xf32>,
      %swap3A_98 = arith.index_cast %add3A_63 : i32 to index
      %swap3A_99 = arith.constant 112 : index
      %swap3A_100 = tpu.vector_load %arg6[%swap3A_98, %swap3A_99] {strides = array<i32>} : memref<16x128xf32, #tpu.memory_space<vmem>>, vector<1x16xf32>,
      %swap3A_101 = vector.shape_cast %swap3A_100 : vector<1x16xf32> to vector<16xf32>
      %swap3A_102 = vector.shape_cast %broadcast_in_dim3A_1 : vector<16xf32> to vector<1x16xf32>
      tpu.vector_store %arg6[%swap3A_98, %swap3A_99], %swap3A_102 {strides = array<i32>} : memref<16x128xf32, #tpu.memory_space<vmem>>, vector<1x16xf32>,
    }
    %scan3A_7 = arith.constant 16 : i32
    %scan3A_8 = arith.constant 0 : i32
    %scan3A_9 = arith.constant 80 : i32
    %scan3A_10 = arith.addi %scan3A_8, %scan3A_9 : i32
    %scan3A_11 = arith.constant 1 : i32
    scf.for %scan3A_59 = %scan3A_8 to %scan3A_10 step %scan3A_11  : i32 {
      %mul3A_60 = arith.constant 1 : i32
      %mul3A_61 = arith.muli %scan3A_59, %mul3A_60 : i32
      %add3A_62 = arith.constant 0 : i32
      %add3A_63 = arith.addi %add3A_62, %mul3A_61 : i32
      %swap3A = arith.index_cast %add3A_63 : i32 to index
      %swap3A_64 = arith.constant 0 : index
      %swap3A_65 = tpu.vector_load %arg5[%swap3A, %swap3A_64] {strides = array<i32>} : memref<80x128xf32, #tpu.memory_space<vmem>>, vector<1x16xf32>,
      %swap3A_66 = vector.shape_cast %swap3A_65 : vector<1x16xf32> to vector<16xf32>
      %swap3A_67 = vector.shape_cast %broadcast_in_dim3A_3 : vector<16xf32> to vector<1x16xf32>
      tpu.vector_store %arg5[%swap3A, %swap3A_64], %swap3A_67 {strides = array<i32>} : memref<80x128xf32, #tpu.memory_space<vmem>>, vector<1x16xf32>,
      %swap3A_68 = arith.index_cast %add3A_63 : i32 to index
      %swap3A_69 = arith.constant 16 : index
      %swap3A_70 = tpu.vector_load %arg5[%swap3A_68, %swap3A_69] {strides = array<i32>} : memref<80x128xf32, #tpu.memory_space<vmem>>, vector<1x16xf32>,
      %swap3A_71 = vector.shape_cast %swap3A_70 : vector<1x16xf32> to vector<16xf32>
      %swap3A_72 = vector.shape_cast %broadcast_in_dim3A_3 : vector<16xf32> to vector<1x16xf32>
      tpu.vector_store %arg5[%swap3A_68, %swap3A_69], %swap3A_72 {strides = array<i32>} : memref<80x128xf32, #tpu.memory_space<vmem>>, vector<1x16xf32>,
      %swap3A_73 = arith.index_cast %add3A_63 : i32 to index
      %swap3A_74 = arith.constant 32 : index
      %swap3A_75 = tpu.vector_load %arg5[%swap3A_73, %swap3A_74] {strides = array<i32>} : memref<80x128xf32, #tpu.memory_space<vmem>>, vector<1x16xf32>,
      %swap3A_76 = vector.shape_cast %swap3A_75 : vector<1x16xf32> to vector<16xf32>
      %swap3A_77 = vector.shape_cast %broadcast_in_dim3A_3 : vector<16xf32> to vector<1x16xf32>
      tpu.vector_store %arg5[%swap3A_73, %swap3A_74], %swap3A_77 {strides = array<i32>} : memref<80x128xf32, #tpu.memory_space<vmem>>, vector<1x16xf32>,
      %swap3A_78 = arith.index_cast %add3A_63 : i32 to index
      %swap3A_79 = arith.constant 48 : index
      %swap3A_80 = tpu.vector_load %arg5[%swap3A_78, %swap3A_79] {strides = array<i32>} : memref<80x128xf32, #tpu.memory_space<vmem>>, vector<1x16xf32>,
      %swap3A_81 = vector.shape_cast %swap3A_80 : vector<1x16xf32> to vector<16xf32>
      %swap3A_82 = vector.shape_cast %broadcast_in_dim3A_3 : vector<16xf32> to vector<1x16xf32>
      tpu.vector_store %arg5[%swap3A_78, %swap3A_79], %swap3A_82 {strides = array<i32>} : memref<80x128xf32, #tpu.memory_space<vmem>>, vector<1x16xf32>,
      %swap3A_83 = arith.index_cast %add3A_63 : i32 to index
      %swap3A_84 = arith.constant 64 : index
      %swap3A_85 = tpu.vector_load %arg5[%swap3A_83, %swap3A_84] {strides = array<i32>} : memref<80x128xf32, #tpu.memory_space<vmem>>, vector<1x16xf32>,
      %swap3A_86 = vector.shape_cast %swap3A_85 : vector<1x16xf32> to vector<16xf32>
      %swap3A_87 = vector.shape_cast %broadcast_in_dim3A_3 : vector<16xf32> to vector<1x16xf32>
      tpu.vector_store %arg5[%swap3A_83, %swap3A_84], %swap3A_87 {strides = array<i32>} : memref<80x128xf32, #tpu.memory_space<vmem>>, vector<1x16xf32>,
      %swap3A_88 = arith.index_cast %add3A_63 : i32 to index
      %swap3A_89 = arith.constant 80 : index
      %swap3A_90 = tpu.vector_load %arg5[%swap3A_88, %swap3A_89] {strides = array<i32>} : memref<80x128xf32, #tpu.memory_space<vmem>>, vector<1x16xf32>,
      %swap3A_91 = vector.shape_cast %swap3A_90 : vector<1x16xf32> to vector<16xf32>
      %swap3A_92 = vector.shape_cast %broadcast_in_dim3A_3 : vector<16xf32> to vector<1x16xf32>
      tpu.vector_store %arg5[%swap3A_88, %swap3A_89], %swap3A_92 {strides = array<i32>} : memref<80x128xf32, #tpu.memory_space<vmem>>, vector<1x16xf32>,
      %swap3A_93 = arith.index_cast %add3A_63 : i32 to index
      %swap3A_94 = arith.constant 96 : index
      %swap3A_95 = tpu.vector_load %arg5[%swap3A_93, %swap3A_94] {strides = array<i32>} : memref<80x128xf32, #tpu.memory_space<vmem>>, vector<1x16xf32>,
      %swap3A_96 = vector.shape_cast %swap3A_95 : vector<1x16xf32> to vector<16xf32>
      %swap3A_97 = vector.shape_cast %broadcast_in_dim3A_3 : vector<16xf32> to vector<1x16xf32>
      tpu.vector_store %arg5[%swap3A_93, %swap3A_94], %swap3A_97 {strides = array<i32>} : memref<80x128xf32, #tpu.memory_space<vmem>>, vector<1x16xf32>,
      %swap3A_98 = arith.index_cast %add3A_63 : i32 to index
      %swap3A_99 = arith.constant 112 : index
      %swap3A_100 = tpu.vector_load %arg5[%swap3A_98, %swap3A_99] {strides = array<i32>} : memref<80x128xf32, #tpu.memory_space<vmem>>, vector<1x16xf32>,
      %swap3A_101 = vector.shape_cast %swap3A_100 : vector<1x16xf32> to vector<16xf32>
      %swap3A_102 = vector.shape_cast %broadcast_in_dim3A_3 : vector<16xf32> to vector<1x16xf32>
      tpu.vector_store %arg5[%swap3A_98, %swap3A_99], %swap3A_102 {strides = array<i32>} : memref<80x128xf32, #tpu.memory_space<vmem>>, vector<1x16xf32>,
    }
    %scan3A_12 = arith.constant 80 : i32
    %iota3A = tpu.iota {dimensions = array<i32: 0>} : vector<16xi32>
    %eq3A = arith.constant 0 : i32
    %eq3A_13 = arith.cmpi eq, %arg1, %eq3A : i32
    %convert_element_type3A = arith.extui %eq3A_13 : i1 to i32
    %add3A_14 = arith.constant 39 : i32
    %add3A_15 = arith.addi %add3A_14, %convert_element_type3A : i32
    %sub3A = arith.constant 0 : i32
    %sub3A_16 = arith.subi %add3A_15, %sub3A : i32
    %sub3A_17 = arith.constant 1 : i32
    %sub3A_18 = arith.constant 1 : i32
    %sub3A_19 = arith.subi %sub3A_17, %sub3A_18 : i32
    %add3A_20 = arith.addi %sub3A_16, %sub3A_19 : i32
    %div3A = arith.constant 1 : i32
    %div3A_21 = arith.divsi %add3A_20, %div3A : i32
    %while3A = arith.constant 1 : i32
    %while3A_22 = arith.constant 0 : i32
    %while3A_23 = arith.constant 0 : i32
    %while3A_24 = arith.subi %div3A_21, %while3A_23 : i32
    %while3A_25 = arith.addi %while3A_23, %while3A_24 : i32
    %while3A_26 = arith.constant 1 : i32
    %while3A_27 = arith.divsi %while3A_24, %while3A_26 : i32
    %while3A_28 = arith.muli %while3A_27, %while3A_26 : i32
    %while3A_29 = arith.addi %while3A_23, %while3A_28 : i32
    %while3A_30 = arith.constant 1 : i32
    scf.for %while3A_59 = %while3A_23 to %while3A_29 step %while3A_30  : i32 {
      %mul3A_60 = arith.muli %while3A_59, %while3A : i32
      %add3A_61 = arith.addi %while3A_22, %mul3A_60 : i32
      %mul3A_62 = arith.constant 16 : i32
      %mul3A_63 = arith.muli %add3A_61, %mul3A_62 : i32
      %add3A_64 = arith.addi %arg1, %mul3A_63 : i32
      %mul3A_65 = arith.constant 16 : i32
      %mul3A_66 = arith.muli %add3A_64, %mul3A_65 : i32
      %add3A_67 = vector.broadcast %mul3A_66 : i32 to vector<16xi32>
      %add3A_68 = arith.addi %add3A_67, %iota3A : vector<16xi32>
      "tpu.region"() ({
        %run_scoped3A = tpu.sem_alloc : memref<!tpu.dma_semaphore, #tpu.memory_space<semaphore_mem>>
        %dma_start3A = arith.constant 0 : i32
        %dma_start3A_69 = arith.constant 0 : i32
        %dma_start3A_70 = tpu.memref_slice %arg8[%dma_start3A, %dma_start3A_69] : memref<10000x128xf32, #tpu.memory_space<vmem_shared>> -> memref<10000x128xf32, #tpu.memory_space<vmem_shared>>
        tpu.enqueue_indirect_dma source(%arg6 : memref<16x128xf32, #tpu.memory_space<vmem>>) target(%dma_start3A_70 : memref<10000x128xf32, #tpu.memory_space<vmem_shared>>) offsets(%add3A_68 : vector<16xi32>) semaphore(%run_scoped3A : memref<!tpu.dma_semaphore, #tpu.memory_space<semaphore_mem>>)
        %dma_wait3A = arith.constant 0 : i32
        %dma_wait3A_71 = arith.constant 0 : i32
        %dma_wait3A_72 = tpu.memref_slice %arg8[%dma_wait3A, %dma_wait3A_71] : memref<10000x128xf32, #tpu.memory_space<vmem_shared>> -> memref<10000x128xf32, #tpu.memory_space<vmem_shared>>
        tpu.wait_indirect_dma semaphore(%run_scoped3A : memref<!tpu.dma_semaphore, #tpu.memory_space<semaphore_mem>>) src(%arg6 : memref<16x128xf32, #tpu.memory_space<vmem>>) dst(%dma_wait3A_72 : memref<10000x128xf32, #tpu.memory_space<vmem_shared>>)
        tpu.yield
      }) : () -> ()
    }
    %while3A_31 = arith.constant 1 : i32
    scf.for %while3A_59 = %while3A_29 to %while3A_25 step %while3A_31  : i32 {
      %mul3A_60 = arith.muli %while3A_59, %while3A : i32
      %add3A_61 = arith.addi %while3A_22, %mul3A_60 : i32
      %mul3A_62 = arith.constant 16 : i32
      %mul3A_63 = arith.muli %add3A_61, %mul3A_62 : i32
      %add3A_64 = arith.addi %arg1, %mul3A_63 : i32
      %mul3A_65 = arith.constant 16 : i32
      %mul3A_66 = arith.muli %add3A_64, %mul3A_65 : i32
      %add3A_67 = vector.broadcast %mul3A_66 : i32 to vector<16xi32>
      %add3A_68 = arith.addi %add3A_67, %iota3A : vector<16xi32>
      "tpu.region"() ({
        %run_scoped3A = tpu.sem_alloc : memref<!tpu.dma_semaphore, #tpu.memory_space<semaphore_mem>>
        %dma_start3A = arith.constant 0 : i32
        %dma_start3A_69 = arith.constant 0 : i32
        %dma_start3A_70 = tpu.memref_slice %arg8[%dma_start3A, %dma_start3A_69] : memref<10000x128xf32, #tpu.memory_space<vmem_shared>> -> memref<10000x128xf32, #tpu.memory_space<vmem_shared>>
        tpu.enqueue_indirect_dma source(%arg6 : memref<16x128xf32, #tpu.memory_space<vmem>>) target(%dma_start3A_70 : memref<10000x128xf32, #tpu.memory_space<vmem_shared>>) offsets(%add3A_68 : vector<16xi32>) semaphore(%run_scoped3A : memref<!tpu.dma_semaphore, #tpu.memory_space<semaphore_mem>>)
        %dma_wait3A = arith.constant 0 : i32
        %dma_wait3A_71 = arith.constant 0 : i32
        %dma_wait3A_72 = tpu.memref_slice %arg8[%dma_wait3A, %dma_wait3A_71] : memref<10000x128xf32, #tpu.memory_space<vmem_shared>> -> memref<10000x128xf32, #tpu.memory_space<vmem_shared>>
        tpu.wait_indirect_dma semaphore(%run_scoped3A : memref<!tpu.dma_semaphore, #tpu.memory_space<semaphore_mem>>) src(%arg6 : memref<16x128xf32, #tpu.memory_space<vmem>>) dst(%dma_wait3A_72 : memref<10000x128xf32, #tpu.memory_space<vmem_shared>>)
        tpu.yield
      }) : () -> ()
    }
    %barrier3A = arith.constant 0 : index
    tpu.barrier barrier_id(%barrier3A)
    %mul3A_32 = arith.constant 10000 : i32
    %mul3A_33 = arith.muli %add3A, %mul3A_32 : i32
    %scan3A_34 = arith.constant 0 : i32
    %scan3A_35 = arith.constant 125 : i32
    %scan3A_36 = arith.addi %scan3A_34, %scan3A_35 : i32
    %scan3A_37 = arith.constant 1 : i32
    scf.for %scan3A_59 = %scan3A_34 to %scan3A_36 step %scan3A_37  : i32 {
      %mul3A_60 = arith.constant 1 : i32
      %mul3A_61 = arith.muli %scan3A_59, %mul3A_60 : i32
      %add3A_62 = arith.constant 0 : i32
      %add3A_63 = arith.addi %add3A_62, %mul3A_61 : i32
      %mul3A_64 = arith.constant 80 : i32
      %mul3A_65 = arith.muli %add3A_63, %mul3A_64 : i32
      %add3A_66 = arith.addi %mul3A_33, %mul3A_65 : i32
      %multiple_of3A = tpu.assume_multiple %add3A_66, 8 : i32
      "tpu.region"() ({
        %run_scoped3A = tpu.sem_alloc : memref<!tpu.dma_semaphore, #tpu.memory_space<semaphore_mem>>
        %dma_start3A = tpu.memref_slice %arg2[%multiple_of3A] : memref<320000xi32, #tpu.memory_space<hbm>> -> memref<80xi32, #tpu.memory_space<hbm>>
        %dma_start3A_67 = tpu.memref_slice %arg2[%multiple_of3A] : memref<320000xi32, #tpu.memory_space<hbm>> -> memref<80xi32, #tpu.memory_space<hbm>>
        tpu.enqueue_dma source(%dma_start3A_67 : memref<80xi32, #tpu.memory_space<hbm>>) target(%arg4 : memref<80xi32, #tpu.memory_space<vmem>>) target_semaphore(%run_scoped3A : memref<!tpu.dma_semaphore, #tpu.memory_space<semaphore_mem>>)
        %dma_wait3A = tpu.memref_slice %arg2[%multiple_of3A] : memref<320000xi32, #tpu.memory_space<hbm>> -> memref<80xi32, #tpu.memory_space<hbm>>
        %dma_wait3A_68 = tpu.memref_slice %arg2[%multiple_of3A] : memref<320000xi32, #tpu.memory_space<hbm>> -> memref<80xi32, #tpu.memory_space<hbm>>
        tpu.wait_dma2 semaphore(%run_scoped3A : memref<!tpu.dma_semaphore, #tpu.memory_space<semaphore_mem>>) src(%dma_wait3A_68 : memref<80xi32, #tpu.memory_space<hbm>>) dst(%arg4 : memref<80xi32, #tpu.memory_space<vmem>>)
        tpu.yield
      }) : () -> ()
      "tpu.region"() ({
        %run_scoped3A = tpu.sem_alloc : memref<!tpu.dma_semaphore, #tpu.memory_space<semaphore_mem>>
        %dma_start3A = arith.constant 0 : i32
        %dma_start3A_67 = arith.constant 0 : i32
        %dma_start3A_68 = tpu.memref_slice %arg8[%dma_start3A, %dma_start3A_67] : memref<10000x128xf32, #tpu.memory_space<vmem_shared>> -> memref<10000x128xf32, #tpu.memory_space<vmem_shared>>
        tpu.enqueue_indirect_dma source(%arg5 : memref<80x128xf32, #tpu.memory_space<vmem>>) target(%dma_start3A_68 : memref<10000x128xf32, #tpu.memory_space<vmem_shared>>) offsets(%arg4 : memref<80xi32, #tpu.memory_space<vmem>>) semaphore(%run_scoped3A : memref<!tpu.dma_semaphore, #tpu.memory_space<semaphore_mem>>) {add = true}
        %dma_wait3A = arith.constant 0 : i32
        %dma_wait3A_69 = arith.constant 0 : i32
        %dma_wait3A_70 = tpu.memref_slice %arg8[%dma_wait3A, %dma_wait3A_69] : memref<10000x128xf32, #tpu.memory_space<vmem_shared>> -> memref<10000x128xf32, #tpu.memory_space<vmem_shared>>
        tpu.wait_indirect_dma semaphore(%run_scoped3A : memref<!tpu.dma_semaphore, #tpu.memory_space<semaphore_mem>>) src(%arg5 : memref<80x128xf32, #tpu.memory_space<vmem>>) dst(%dma_wait3A_70 : memref<10000x128xf32, #tpu.memory_space<vmem_shared>>)
        tpu.yield
      }) : () -> ()
    }
    %scan3A_38 = arith.constant 125 : i32
    %barrier3A_39 = arith.constant 0 : index
    tpu.barrier barrier_id(%barrier3A_39)
    %sub3A_40 = arith.constant 0 : i32
    %sub3A_41 = arith.subi %add3A_15, %sub3A_40 : i32
    %sub3A_42 = arith.constant 1 : i32
    %sub3A_43 = arith.constant 1 : i32
    %sub3A_44 = arith.subi %sub3A_42, %sub3A_43 : i32
    %add3A_45 = arith.addi %sub3A_41, %sub3A_44 : i32
    %div3A_46 = arith.constant 1 : i32
    %div3A_47 = arith.divsi %add3A_45, %div3A_46 : i32
    %while3A_48 = arith.constant 1 : i32
    %while3A_49 = arith.constant 0 : i32
    %while3A_50 = arith.constant 0 : i32
    %while3A_51 = arith.subi %div3A_47, %while3A_50 : i32
    %while3A_52 = arith.addi %while3A_50, %while3A_51 : i32
    %while3A_53 = arith.constant 1 : i32
    %while3A_54 = arith.divsi %while3A_51, %while3A_53 : i32
    %while3A_55 = arith.muli %while3A_54, %while3A_53 : i32
    %while3A_56 = arith.addi %while3A_50, %while3A_55 : i32
    %while3A_57 = arith.constant 1 : i32
    scf.for %while3A_59 = %while3A_50 to %while3A_56 step %while3A_57  : i32 {
      %mul3A_60 = arith.muli %while3A_59, %while3A_48 : i32
      %add3A_61 = arith.addi %while3A_49, %mul3A_60 : i32
      %mul3A_62 = arith.constant 16 : i32
      %mul3A_63 = arith.muli %add3A_61, %mul3A_62 : i32
      %add3A_64 = arith.addi %arg1, %mul3A_63 : i32
      %mul3A_65 = arith.constant 16 : i32
      %mul3A_66 = arith.muli %add3A_64, %mul3A_65 : i32
      %add3A_67 = vector.broadcast %mul3A_66 : i32 to vector<16xi32>
      %add3A_68 = arith.addi %add3A_67, %iota3A : vector<16xi32>
      %dma_start3A = arith.constant 0 : i32
      %dma_start3A_69 = arith.constant 0 : i32
      %dma_start3A_70 = tpu.memref_slice %arg8[%dma_start3A, %dma_start3A_69] : memref<10000x128xf32, #tpu.memory_space<vmem_shared>> -> memref<10000x128xf32, #tpu.memory_space<vmem_shared>>
      tpu.enqueue_indirect_dma source(%dma_start3A_70 : memref<10000x128xf32, #tpu.memory_space<vmem_shared>>) target(%arg7 : memref<16x128xf32, #tpu.memory_space<vmem>>) offsets(%add3A_68 : vector<16xi32>) semaphore(%arg9 : memref<!tpu.dma_semaphore, #tpu.memory_space<semaphore_mem>>)
      %dma_wait3A = arith.constant 0 : i32
      %dma_wait3A_71 = arith.constant 0 : i32
      %dma_wait3A_72 = tpu.memref_slice %arg8[%dma_wait3A, %dma_wait3A_71] : memref<10000x128xf32, #tpu.memory_space<vmem_shared>> -> memref<10000x128xf32, #tpu.memory_space<vmem_shared>>
      tpu.wait_indirect_dma semaphore(%arg9 : memref<!tpu.dma_semaphore, #tpu.memory_space<semaphore_mem>>) src(%dma_wait3A_72 : memref<10000x128xf32, #tpu.memory_space<vmem_shared>>) dst(%arg7 : memref<16x128xf32, #tpu.memory_space<vmem>>)
      %mul3A_73 = arith.constant 16 : i32
      %mul3A_74 = arith.muli %add3A_64, %mul3A_73 : i32
      "tpu.region"() ({
        %run_scoped3A = tpu.sem_alloc : memref<!tpu.dma_semaphore, #tpu.memory_space<semaphore_mem>>
        %dma_start3A_75 = arith.constant 0 : i32
        %dma_start3A_76 = tpu.memref_slice %arg3[%arg0, %mul3A_74, %dma_start3A_75] : memref<2x10000x128xf32, #tpu.memory_space<hbm>> -> memref<1x16x128xf32, #tpu.memory_space<hbm>>
        %dma_start3A_77 = tpu.memref_squeeze %dma_start3A_76 : memref<1x16x128xf32, #tpu.memory_space<hbm>> -> memref<16x128xf32, #tpu.memory_space<hbm>>
        %dma_start3A_78 = arith.constant 0 : i32
        %dma_start3A_79 = tpu.memref_slice %arg3[%arg0, %mul3A_74, %dma_start3A_78] : memref<2x10000x128xf32, #tpu.memory_space<hbm>> -> memref<1x16x128xf32, #tpu.memory_space<hbm>>
        %dma_start3A_80 = tpu.memref_squeeze %dma_start3A_79 : memref<1x16x128xf32, #tpu.memory_space<hbm>> -> memref<16x128xf32, #tpu.memory_space<hbm>>
        tpu.enqueue_dma source(%arg7 : memref<16x128xf32, #tpu.memory_space<vmem>>) target(%dma_start3A_80 : memref<16x128xf32, #tpu.memory_space<hbm>>) target_semaphore(%run_scoped3A : memref<!tpu.dma_semaphore, #tpu.memory_space<semaphore_mem>>)
        %dma_wait3A_81 = arith.constant 0 : i32
        %dma_wait3A_82 = tpu.memref_slice %arg3[%arg0, %mul3A_74, %dma_wait3A_81] : memref<2x10000x128xf32, #tpu.memory_space<hbm>> -> memref<1x16x128xf32, #tpu.memory_space<hbm>>
        %dma_wait3A_83 = tpu.memref_squeeze %dma_wait3A_82 : memref<1x16x128xf32, #tpu.memory_space<hbm>> -> memref<16x128xf32, #tpu.memory_space<hbm>>
        %dma_wait3A_84 = arith.constant 0 : i32
        %dma_wait3A_85 = tpu.memref_slice %arg3[%arg0, %mul3A_74, %dma_wait3A_84] : memref<2x10000x128xf32, #tpu.memory_space<hbm>> -> memref<1x16x128xf32, #tpu.memory_space<hbm>>
        %dma_wait3A_86 = tpu.memref_squeeze %dma_wait3A_85 : memref<1x16x128xf32, #tpu.memory_space<hbm>> -> memref<16x128xf32, #tpu.memory_space<hbm>>
        tpu.wait_dma2 semaphore(%run_scoped3A : memref<!tpu.dma_semaphore, #tpu.memory_space<semaphore_mem>>) src(%arg7 : memref<16x128xf32, #tpu.memory_space<vmem>>) dst(%dma_wait3A_86 : memref<16x128xf32, #tpu.memory_space<hbm>>)
        tpu.yield
      }) : () -> ()
    }
    %while3A_58 = arith.constant 1 : i32
    scf.for %while3A_59 = %while3A_56 to %while3A_52 step %while3A_58  : i32 {
      %mul3A_60 = arith.muli %while3A_59, %while3A_48 : i32
      %add3A_61 = arith.addi %while3A_49, %mul3A_60 : i32
      %mul3A_62 = arith.constant 16 : i32
      %mul3A_63 = arith.muli %add3A_61, %mul3A_62 : i32
      %add3A_64 = arith.addi %arg1, %mul3A_63 : i32
      %mul3A_65 = arith.constant 16 : i32
      %mul3A_66 = arith.muli %add3A_64, %mul3A_65 : i32
      %add3A_67 = vector.broadcast %mul3A_66 : i32 to vector<16xi32>
      %add3A_68 = arith.addi %add3A_67, %iota3A : vector<16xi32>
      %dma_start3A = arith.constant 0 : i32
      %dma_start3A_69 = arith.constant 0 : i32
      %dma_start3A_70 = tpu.memref_slice %arg8[%dma_start3A, %dma_start3A_69] : memref<10000x128xf32, #tpu.memory_space<vmem_shared>> -> memref<10000x128xf32, #tpu.memory_space<vmem_shared>>
      tpu.enqueue_indirect_dma source(%dma_start3A_70 : memref<10000x128xf32, #tpu.memory_space<vmem_shared>>) target(%arg7 : memref<16x128xf32, #tpu.memory_space<vmem>>) offsets(%add3A_68 : vector<16xi32>) semaphore(%arg9 : memref<!tpu.dma_semaphore, #tpu.memory_space<semaphore_mem>>)
      %dma_wait3A = arith.constant 0 : i32
      %dma_wait3A_71 = arith.constant 0 : i32
      %dma_wait3A_72 = tpu.memref_slice %arg8[%dma_wait3A, %dma_wait3A_71] : memref<10000x128xf32, #tpu.memory_space<vmem_shared>> -> memref<10000x128xf32, #tpu.memory_space<vmem_shared>>
      tpu.wait_indirect_dma semaphore(%arg9 : memref<!tpu.dma_semaphore, #tpu.memory_space<semaphore_mem>>) src(%dma_wait3A_72 : memref<10000x128xf32, #tpu.memory_space<vmem_shared>>) dst(%arg7 : memref<16x128xf32, #tpu.memory_space<vmem>>)
      %mul3A_73 = arith.constant 16 : i32
      %mul3A_74 = arith.muli %add3A_64, %mul3A_73 : i32
      "tpu.region"() ({
        %run_scoped3A = tpu.sem_alloc : memref<!tpu.dma_semaphore, #tpu.memory_space<semaphore_mem>>
        %dma_start3A_75 = arith.constant 0 : i32
        %dma_start3A_76 = tpu.memref_slice %arg3[%arg0, %mul3A_74, %dma_start3A_75] : memref<2x10000x128xf32, #tpu.memory_space<hbm>> -> memref<1x16x128xf32, #tpu.memory_space<hbm>>
        %dma_start3A_77 = tpu.memref_squeeze %dma_start3A_76 : memref<1x16x128xf32, #tpu.memory_space<hbm>> -> memref<16x128xf32, #tpu.memory_space<hbm>>
        %dma_start3A_78 = arith.constant 0 : i32
        %dma_start3A_79 = tpu.memref_slice %arg3[%arg0, %mul3A_74, %dma_start3A_78] : memref<2x10000x128xf32, #tpu.memory_space<hbm>> -> memref<1x16x128xf32, #tpu.memory_space<hbm>>
        %dma_start3A_80 = tpu.memref_squeeze %dma_start3A_79 : memref<1x16x128xf32, #tpu.memory_space<hbm>> -> memref<16x128xf32, #tpu.memory_space<hbm>>
        tpu.enqueue_dma source(%arg7 : memref<16x128xf32, #tpu.memory_space<vmem>>) target(%dma_start3A_80 : memref<16x128xf32, #tpu.memory_space<hbm>>) target_semaphore(%run_scoped3A : memref<!tpu.dma_semaphore, #tpu.memory_space<semaphore_mem>>)
        %dma_wait3A_81 = arith.constant 0 : i32
        %dma_wait3A_82 = tpu.memref_slice %arg3[%arg0, %mul3A_74, %dma_wait3A_81] : memref<2x10000x128xf32, #tpu.memory_space<hbm>> -> memref<1x16x128xf32, #tpu.memory_space<hbm>>
        %dma_wait3A_83 = tpu.memref_squeeze %dma_wait3A_82 : memref<1x16x128xf32, #tpu.memory_space<hbm>> -> memref<16x128xf32, #tpu.memory_space<hbm>>
        %dma_wait3A_84 = arith.constant 0 : i32
        %dma_wait3A_85 = tpu.memref_slice %arg3[%arg0, %mul3A_74, %dma_wait3A_84] : memref<2x10000x128xf32, #tpu.memory_space<hbm>> -> memref<1x16x128xf32, #tpu.memory_space<hbm>>
        %dma_wait3A_86 = tpu.memref_squeeze %dma_wait3A_85 : memref<1x16x128xf32, #tpu.memory_space<hbm>> -> memref<16x128xf32, #tpu.memory_space<hbm>>
        tpu.wait_dma2 semaphore(%run_scoped3A : memref<!tpu.dma_semaphore, #tpu.memory_space<semaphore_mem>>) src(%arg7 : memref<16x128xf32, #tpu.memory_space<vmem>>) dst(%dma_wait3A_86 : memref<16x128xf32, #tpu.memory_space<hbm>>)
        tpu.yield
      }) : () -> ()
    }
    return
  }
}

module attributes {stable_mosaic.version = 14 : i64} {
  func.func @body(%arg0: i32, %arg1: memref<2x1000x128xf32, #tpu.memory_space<vmem>>, %arg2: memref<2x1000x128xf32, #tpu.memory_space<vmem>>, %arg3: memref<1000x128xf32, #tpu.memory_space<vmem>>, %arg4: memref<128x128xf32, #tpu.memory_space<vmem>>, %arg5: memref<128x128xf32, #tpu.memory_space<vmem>>, %arg6: memref<1x128xf32, #tpu.memory_space<vmem>>, %arg7: memref<1000x128xf32, #tpu.memory_space<vmem>>) attributes {dimension_semantics = [#tpu.dimension_semantics<arbitrary>], iteration_bounds = array<i64: 10>, scalar_prefetch = 0 : i64, scratch_operands = 0 : i64, tpu.core_type = #tpu.core_type<tc>, window_params = [{transform_indices = @transform_0, window_bounds = array<i64: 2, 1000, 128>}, {transform_indices = @transform_1, window_bounds = array<i64: 2, 1000, 128>}, {transform_indices = @transform_2, window_bounds = array<i64: 1000, 128>}, {pipeline_mode = #tpu.pipeline_mode<synchronous>, transform_indices = @transform_3, window_bounds = array<i64: 128, 128>}, {pipeline_mode = #tpu.pipeline_mode<synchronous>, transform_indices = @transform_4, window_bounds = array<i64: 128, 128>}, {pipeline_mode = #tpu.pipeline_mode<synchronous>, transform_indices = @transform_5, window_bounds = array<i64: 1, 128>}, {transform_indices = @transform_6, window_bounds = array<i64: 1000, 128>}]} {
    %get3A = arith.constant 0 : index
    %get3A_0 = arith.constant 0 : index
    %get3A_1 = arith.constant 0 : index
    %get3A_2 = vector.load %arg1[%get3A, %get3A_0, %get3A_1] : memref<2x1000x128xf32, #tpu.memory_space<vmem>>, vector<1x1000x128xf32>
    %get3A_3 = vector.shape_cast %get3A_2 : vector<1x1000x128xf32> to vector<1000x128xf32>
    %get3A_4 = arith.constant 1 : index
    %get3A_5 = arith.constant 0 : index
    %get3A_6 = arith.constant 0 : index
    %get3A_7 = vector.load %arg1[%get3A_4, %get3A_5, %get3A_6] : memref<2x1000x128xf32, #tpu.memory_space<vmem>>, vector<1x1000x128xf32>
    %get3A_8 = vector.shape_cast %get3A_7 : vector<1x1000x128xf32> to vector<1000x128xf32>
    %add3A = arith.addf %get3A_3, %get3A_8 : vector<1000x128xf32>
    %get3A_9 = arith.constant 0 : index
    %get3A_10 = arith.constant 0 : index
    %get3A_11 = arith.constant 0 : index
    %get3A_12 = vector.load %arg2[%get3A_9, %get3A_10, %get3A_11] : memref<2x1000x128xf32, #tpu.memory_space<vmem>>, vector<1x1000x1xf32>
    %get3A_13 = vector.shape_cast %get3A_12 : vector<1x1000x1xf32> to vector<1000x1xf32>
    %get3A_14 = arith.constant 1 : index
    %get3A_15 = arith.constant 0 : index
    %get3A_16 = arith.constant 0 : index
    %get3A_17 = vector.load %arg2[%get3A_14, %get3A_15, %get3A_16] : memref<2x1000x128xf32, #tpu.memory_space<vmem>>, vector<1x1000x1xf32>
    %get3A_18 = vector.shape_cast %get3A_17 : vector<1x1000x1xf32> to vector<1000x1xf32>
    %add3A_19 = arith.addf %get3A_13, %get3A_18 : vector<1000x1xf32>
    %max3A = arith.constant 1.000000e+00 : f32
    %max3A_20 = vector.broadcast %max3A : f32 to vector<1000x1xf32>
    %max3A_21 = arith.maximumf %add3A_19, %max3A_20 : vector<1000x1xf32>
    %div3A = vector.broadcast %max3A_21 : vector<1000x1xf32> to vector<1000x128xf32>
    %div3A_22 = arith.divf %add3A, %div3A : vector<1000x128xf32>
    %get3A_23 = arith.constant 0 : index
    %get3A_24 = arith.constant 0 : index
    %get3A_25 = vector.load %arg3[%get3A_23, %get3A_24] : memref<1000x128xf32, #tpu.memory_space<vmem>>, vector<1000x128xf32>
    %get3A_26 = arith.constant 0 : index
    %get3A_27 = arith.constant 0 : index
    %get3A_28 = vector.load %arg4[%get3A_26, %get3A_27] : memref<128x128xf32, #tpu.memory_space<vmem>>, vector<128x128xf32>
    %dot_general3A = arith.constant dense<0.000000e+00> : vector<1000x128xf32>
    %dot_general3A_29 = tpu.matmul %get3A_25, %get3A_28, %dot_general3A {dimension_numbers = #tpu.dot_dimension_numbers<[1], [0], [0], [1], [0, 0, 1, 1], [], []>, transpose_lhs_hint = false} : vector<1000x128xf32>, vector<128x128xf32>, vector<1000x128xf32> -> vector<1000x128xf32>
    %get3A_30 = arith.constant 0 : index
    %get3A_31 = arith.constant 0 : index
    %get3A_32 = vector.load %arg5[%get3A_30, %get3A_31] : memref<128x128xf32, #tpu.memory_space<vmem>>, vector<128x128xf32>
    %dot_general3A_33 = arith.constant dense<0.000000e+00> : vector<1000x128xf32>
    %dot_general3A_34 = tpu.matmul %div3A_22, %get3A_32, %dot_general3A_33 {dimension_numbers = #tpu.dot_dimension_numbers<[1], [0], [0], [1], [0, 0, 1, 1], [], []>, transpose_lhs_hint = false} : vector<1000x128xf32>, vector<128x128xf32>, vector<1000x128xf32> -> vector<1000x128xf32>
    %add3A_35 = arith.addf %dot_general3A_29, %dot_general3A_34 : vector<1000x128xf32>
    %get3A_36 = arith.constant 0 : index
    %get3A_37 = arith.constant 0 : index
    %get3A_38 = vector.load %arg6[%get3A_36, %get3A_37] : memref<1x128xf32, #tpu.memory_space<vmem>>, vector<1x128xf32>
    %add3A_39 = vector.broadcast %get3A_38 : vector<1x128xf32> to vector<1000x128xf32>
    %add3A_40 = arith.addf %add3A_35, %add3A_39 : vector<1000x128xf32>
    %mul3A = arith.mulf %add3A_40, %add3A_40 : vector<1000x128xf32>
    %reduce_sum3A = arith.constant dense<0.000000e+00> : vector<1000xf32>
    %reduce_sum3A_41 = vector.multi_reduction <add>, %mul3A, %reduce_sum3A [1] : vector<1000x128xf32> to vector<1000xf32>
    %broadcast_in_dim3A = vector.shape_cast %reduce_sum3A_41 : vector<1000xf32> to vector<1000x1xf32>
    %sqrt3A = math.sqrt %broadcast_in_dim3A : vector<1000x1xf32>
    %max3A_42 = arith.constant 9.99999996E-13 : f32
    %max3A_43 = vector.broadcast %max3A_42 : f32 to vector<1000x1xf32>
    %max3A_44 = arith.maximumf %sqrt3A, %max3A_43 : vector<1000x1xf32>
    %div3A_45 = vector.broadcast %max3A_44 : vector<1000x1xf32> to vector<1000x128xf32>
    %div3A_46 = arith.divf %add3A_40, %div3A_45 : vector<1000x128xf32>
    %swap3A = arith.constant 0 : index
    %swap3A_47 = arith.constant 0 : index
    %swap3A_48 = vector.load %arg7[%swap3A, %swap3A_47] : memref<1000x128xf32, #tpu.memory_space<vmem>>, vector<1000x128xf32>
    tpu.vector_store %arg7[%swap3A, %swap3A_47], %div3A_46 {strides = array<i32>} : memref<1000x128xf32, #tpu.memory_space<vmem>>, vector<1000x128xf32>,
    return
  }
  func.func @transform_0(%arg0: i32) -> (i32, i32, i32) {
    %c0_i32 = arith.constant 0 : i32
    %c0_i32_0 = arith.constant 0 : i32
    %c0_i32_1 = arith.constant 0 : i32
    return %c0_i32, %arg0, %c0_i32_0 : i32, i32, i32
  }
  func.func @transform_1(%arg0: i32) -> (i32, i32, i32) {
    %c0_i32 = arith.constant 0 : i32
    %c0_i32_0 = arith.constant 0 : i32
    %c0_i32_1 = arith.constant 0 : i32
    return %c0_i32, %arg0, %c0_i32_0 : i32, i32, i32
  }
  func.func @transform_2(%arg0: i32) -> (i32, i32) {
    %c0_i32 = arith.constant 0 : i32
    %c0_i32_0 = arith.constant 0 : i32
    return %arg0, %c0_i32 : i32, i32
  }
  func.func @transform_3(%arg0: i32) -> (i32, i32) {
    %c0_i32 = arith.constant 0 : i32
    %c0_i32_0 = arith.constant 0 : i32
    %c0_i32_1 = arith.constant 0 : i32
    return %c0_i32, %c0_i32_0 : i32, i32
  }
  func.func @transform_4(%arg0: i32) -> (i32, i32) {
    %c0_i32 = arith.constant 0 : i32
    %c0_i32_0 = arith.constant 0 : i32
    %c0_i32_1 = arith.constant 0 : i32
    return %c0_i32, %c0_i32_0 : i32, i32
  }
  func.func @transform_5(%arg0: i32) -> (i32, i32) {
    %c0_i32 = arith.constant 0 : i32
    %c0_i32_0 = arith.constant 0 : i32
    %c0_i32_1 = arith.constant 0 : i32
    return %c0_i32, %c0_i32_0 : i32, i32
  }
  func.func @transform_6(%arg0: i32) -> (i32, i32) {
    %c0_i32 = arith.constant 0 : i32
    %c0_i32_0 = arith.constant 0 : i32
    return %arg0, %c0_i32 : i32, i32
  }
}

</mosaic_0001>

<sc_bundles>
// kernel: kernel.5.cloned.1.call-start
scs
__scs_entry_jumppad:
0x0: {  	(pc) =	sbr.rel $0x88, $3  }
0x1: {  	(tag) =	ssettag $0x0;
	lr =	simm.s32 $0x1  }
0x2: {  	[smem:$0x3F9B] =	sst lr;
	_ =	strace $0xD0000000  }
0x3: {  	_ = 	snop  }
0x4: {  	_ = 	snop  }
0x5: {  	_ = 	snop  }
0x6: {  	_ = 	snop  }
0x7: {  	_ = 	snop  }
__scs_overlays_trampoline_lowered:
0x8: {  	[smem:$0x3FAA] =	sst s0  }
0x9: {  	[smem:$0x3FAB] =	sst s1  }
0xa: {  	[smem:$0x3FAC] =	sst s2  }
0xb: {  	[smem:$0x3FAD] =	sst s3  }
0xc: {  	[smem:$0x3FAE] =	sst s4  }
0xd: {  	[smem:$0x3FAF] =	sst s5  }
0xe: {  	[smem:$0x3FB0] =	sst s6  }
0xf: {  	[smem:$0x3FB1] =	sst s7  }
0x10: {  	[smem:$0x3FB2] =	sst s8  }
0x11: {  	[smem:$0x3FB3] =	sst s9;
	s0 =	simm.s32 @!p0 $0x0  }
0x12: {  	s1 =	sld [smem:$0x3F99];
	s0 =	simm.s32 @p0 $0x1  }
0x13: {  	[smem:$0x3FB4] =	sst s0;
	s0 =	simm.s32 @!p1 $0x0  }
0x14: {  	s2 =	sld [smem:$0x3F98];
	s0 =	simm.s32 @p1 $0x1  }
0x15: {  	[smem:$0x3FB5] =	sst s0;
	s0 =	simm.s32 @!p2 $0x0  }
0x16: {  	s3 =	sld [smem:$0x3FDB];
	s0 =	simm.s32 @p2 $0x1  }
0x17: {  	s4 =	simm.s32 $0x1BF5;
	[smem:$0x3FB7] =	sst s0  }
0x18: {  	s0 =	sld [smem:$0x3F9A];
	_ =	swait.ge [sflag:s4], $0x0  }
0x19: {  	s7 =	sld [smem:$0x3F9B]  }
0x1a: {  	s8 =	sadd.s32 $0xFFFFE003, lr  }
0x1b: {  	s9 =	sadd.s32 $0xFFFFFEF7, lr;
	s5 =	simm.s32 $0xFFFFFFFF;
	p2 =	slt.u32 s8, $0xFFFFF086  }
0x1c: {  	p1 =	slt.u32 s9, $0xF7A;
	s5 =	simm.s32 @!p2 $0x0  }
0x1d: {  	s5 =	simm.s32 @p1 $0x1;
	p0 =	seq.s32 s7, s2  }
0x1e: {  	s7 =	smul.u32 @!p0 $0xF7A, s2;
	p2 =	seq.s32 @!p0 s5, $0x0  }
0x1f: {  	s9 =	smul.u32 $0xF7A, s1;
	s8 =	simm.s32 @!p0 $0x1BF5;
	p2 =	por !p2, p0  }
0x20: {  	[sflag:s8] =	ssyncset.s32 @!p0 $0xFFFFF086;
	s6 =	sadd.s32 @!p0 s3, s7;
	s7 =	simm.s32 @!p0 $0x108  }
0x21: {  	s3 =	sadd.s32 s3, s9;
	s6 =	sadd.s32 @!p0 $0x88, s6;
	s7 =	simm.s32 @p2 $0x1082  }
0x22: {  	[simem:s7], [sflag:s8] =	dma.local @!p0 [hbm:s6], $0xF7A  }
0x23: {  	s9 =	sor.u32 $0xD0000000, s2;
	s6 =	simm.s32 $0x108;
	_ =	swait.ge @!p0 [sflag:s8], $0x0  }
0x24: {  	s3 =	sadd.s32 $0x88, s3;
	s6 =	simm.s32 @!p1 $0x1082;
	[sflag:s4] =	ssyncset.s32 $0xFFFFF086  }
0x25: {  	[simem:s6], [sflag:s4] =	dma.local [hbm:s3], $0xF7A  }
0x26: {  	[smem:$0x3F9B] =	sst s1;
	(tag) =	ssettag s2;
	_ =	strace s9  }
0x27: {  	s1 =	sld [smem:$0x3FAB]  }
0x28: {  	s2 =	sld [smem:$0x3FAC]  }
0x29: {  	s4 =	sld [smem:$0x3FAE]  }
0x2a: {  	p0 =	seq.s32 s5, $0x0;
	s5 =	sld [smem:$0x3FAF]  }
0x2b: {  	s6 =	sld [smem:$0x3FB0]  }
0x2c: {  	s7 =	sld [smem:$0x3FB1]  }
0x2d: {  	s3 =	simm.s32 $0x108;
	s8 =	sld [smem:$0x3FB2]  }
0x2e: {  	s3 =	simm.s32 @!p0 $0x1082;
	s9 =	sld [smem:$0x3FB3]  }
0x2f: {  	lr =	sadd.s32 s0, s3;
	s0 =	sld [smem:$0x3FAA]  }
0x30: {  	s3 =	sld [smem:$0x3FAD]  }
0x31: {  	[smem:$0x3FB6] =	sst s10  }
0x32: {  	s10 =	sld [smem:$0x3FB4];
	_ =	sdelay $0x3  }
0x33: {  	p0 =	seq.s32 s10, $0x1;
	s10 =	sld [smem:$0x3FB6];
	_ =	sdelay $0x3  }
0x34: {  	[smem:$0x3FB6] =	sst s10  }
0x35: {  	s10 =	sld [smem:$0x3FB5];
	_ =	sdelay $0x3  }
0x36: {  	p1 =	seq.s32 s10, $0x1;
	s10 =	sld [smem:$0x3FB6];
	_ =	sdelay $0x3  }
0x37: {  	[smem:$0x3FB6] =	sst s10  }
0x38: {  	s10 =	sld [smem:$0x3FB7]  }
0x39: {  	_ = 	snop;
	(pc) =	sbr.ind lr, $3  }
0x3a: {  	_ = 	snop  }
0x3b: {  	_ = 	snop  }
0x3c: {  	p2 =	seq.s32 s10, $0x1;
	s10 =	sld [smem:$0x3FB6]  }
0x3d: {  	_ =	shalt  }
0x3e: {  	_ =	shalt  }
0x3f: {  	_ =	shalt  }
0x40: {  	_ =	shalt  }
0x41: {  	_ =	shalt  }
0x42: {  	_ =	shalt  }
0x43: {  	_ =	shalt  }
0x44: {  	_ =	shalt  }
0x45: {  	_ =	shalt  }
0x46: {  	_ =	shalt  }
0x47: {  	_ =	shalt  }
0x48: {  	_ =	shalt  }
0x49: {  	_ =	shalt  }
0x4a: {  	_ =	shalt  }
0x4b: {  	_ =	shalt  }
0x4c: {  	_ =	shalt  }
0x4d: {  	_ =	shalt  }
0x4e: {  	_ =	shalt  }
0x4f: {  	_ =	shalt  }
0x50: {  	_ =	shalt  }
0x51: {  	_ =	shalt  }
0x52: {  	_ =	shalt  }
0x53: {  	_ =	shalt  }
0x54: {  	_ =	shalt  }
0x55: {  	_ =	shalt  }
0x56: {  	_ =	shalt  }
0x57: {  	_ =	shalt  }
0x58: {  	_ =	shalt  }
0x59: {  	_ =	shalt  }
0x5a: {  	_ =	shalt  }
0x5b: {  	_ =	shalt  }
0x5c: {  	_ =	shalt  }
0x5d: {  	_ =	shalt  }
0x5e: {  	_ =	shalt  }
0x5f: {  	_ =	shalt  }
0x60: {  	_ =	shalt  }
0x61: {  	_ =	shalt  }
0x62: {  	_ =	shalt  }
0x63: {  	_ =	shalt  }
0x64: {  	_ =	shalt  }
0x65: {  	_ =	shalt  }
0x66: {  	_ =	shalt  }
0x67: {  	_ =	shalt  }
0x68: {  	_ =	shalt  }
0x69: {  	_ =	shalt  }
0x6a: {  	_ =	shalt  }
0x6b: {  	_ =	shalt  }
0x6c: {  	_ =	shalt  }
0x6d: {  	_ =	shalt  }
0x6e: {  	_ =	shalt  }
0x6f: {  	_ =	shalt  }
0x70: {  	_ =	shalt  }
0x71: {  	_ =	shalt  }
0x72: {  	_ =	shalt  }
0x73: {  	_ =	shalt  }
0x74: {  	_ =	shalt  }
0x75: {  	_ =	shalt  }
0x76: {  	_ =	shalt  }
0x77: {  	_ =	shalt  }
0x78: {  	_ =	shalt  }
0x79: {  	_ =	shalt  }
0x7a: {  	_ =	shalt  }
0x7b: {  	_ =	shalt  }
0x7c: {  	_ =	shalt  }
0x7d: {  	_ =	shalt  }
0x7e: {  	_ =	shalt  }
0x7f: {  	_ =	shalt  }
0x80: {  	_ =	shalt  }
0x81: {  	_ =	shalt  }
0x82: {  	_ =	shalt  }
0x83: {  	_ =	shalt  }
0x84: {  	_ =	shalt  }
0x85: {  	_ =	shalt  }
0x86: {  	_ =	shalt  }
0x87: {  	_ =	shalt  }
.Lfunc_end0:
.L_simem_size_0:
called_computation_lowered:
.L_overlay_start_0:
0x88: {  	s2 =	sld [smem:$0x3FD9]  }
0x89: {  	s3 =	sld [smem:$0x3FFE];
	_ =	sdelay $0x1  }
0x8a: {  	s1 =	srdreg.scid  }
0x8b: {  	s0 =	sand.u32 $0x1, s1  }
0x8c: {  	s17 =	sshll.u32 s0, $0xA;
	s2 =	sadd.s32 s3, s2  }
0x8d: {  	s2 =	sadd.s32 s2, s17  }
0x8e: {  	[smem:$0x3FC2] =	sst s2  }
0x8f: {  	_ = 	snop  }
0x90: {  	s2 =	sld [smem:$0x3FC9]  }
0x91: {  	s18 =	sld [smem:$0x3FD0];
	(tm) =	ssettm $0x1  }
0x92: {  	s4 =	sld [smem:$0x3FFB];
	_ =	sdelay $0x3  }
0x93: {  	_ =	strace s4  }
0x94: {  	s4 =	sld [smem:$0x3FFC];
	_ =	sdelay $0x3  }
0x95: {  	_ =	strace s4  }
0x96: {  	s4 =	sld [smem:$0x3FFD];
	_ =	sdelay $0x3  }
0x97: {  	_ =	strace s4  }
0x98: {  	_ =	strace $0x8FFFFFFF  }
0x99: {  	s19 =	sld [smem:$0x3FDB];
	_ =	sdelay $0x1  }
0x9a: {  	s5 =	simm.s32 $_scs_section_size  }
0x9b: {  	s6 =	simm.s32 $_size__tile_overlayer_lowered;
	s7 =	simm.s32 $_tile_overlayer_lowered  }
0x9c: {  	s22 =	simm.s32 $0x1BFF;
	s21 =	sshll.u32 s7, $0x1;
	s4 =	sadd.s32 s5, s19  }
0x9d: {  	s8 =	simm.s32 $0x0;
	s20 =	sshll.u32 s6, $0x1;
	s6 =	sadd.s32 s21, s4  }
0x9e: {  	[timem:s8], [sflag:s22] =	dma.local [hbm:s6], s20  }
0x9f: {  	_ =	swait.ge [sflag:s22], s20  }
0xa0: {  	s5 =	ssub.s32 $0x0, s20;
	[sflag:s22] =	ssyncset.done $0x0  }
0xa1: {  	[sflag:s22] =	ssyncadd.s32 s5;
	_ =	sdelay $0x1  }
0xa2: {  	s23 =	simm.s32 $0x1B8B  }
0xa3: {  	_ =	swait.ge [sflag:s23], $0x1  }
0xa4: {  	[sflag:s23] =	ssyncset.done $0x0  }
0xa5: {  	s25 =	simm.s32 $0x1B8E;
	s24 =	sld [smem:$0x3FFE];
	[sflag:s23] =	ssyncadd.s32 $0xFFFFFFFF  }
0xa6: {  	s26 =	simm.s32 $execute0_lowered;
	[smem:$0x3FD2] =	sst s25  }
0xa7: {  	s6 =	sshll.u32 s26, $0x1;
	_ =	strace $0x80000046;
	[dreg:$0x1] =	wrdreg $0xFFFFFFFF  }
0xa8: {  	s28 =	simm.s32 $_size_execute0_lowered;
	s4 =	sadd.s32 s4, s6;
	[dreg:$0x0] =	wrdreg $0x0  }
0xa9: {  	s6 =	sshll.u32 s28, $0x1;
	[dreg:$0x2] =	wrdreg s4  }
0xaa: {  	[dreg:$0x3] =	wrdreg s6  }
0xab: {  	[dreg:$0x4] =	wrdreg $0xC0  }
0xac: {  	_ =	task [dreg:s8], $0x5FFFF  }
0xad: {  	[dreg:$0x1] =	wrdreg $0xFFFFFFFF  }
0xae: {  	[dreg:$0x0] =	wrdreg $0x60  }
0xaf: {  	[dreg:$0x2] =	wrdreg s2  }
0xb0: {  	[dreg:$0x3] =	wrdreg s24  }
0xb1: {  	[dreg:$0x4] =	wrdreg s18  }
0xb2: {  	[dreg:$0x5] =	wrdreg $0x39000  }
0xb3: {  	[dreg:$0x6] =	wrdreg $0x9  }
0xb4: {  	_ =	task.clear_ibuf [dreg:s8], $0x7FFFF;
	_ =	strace $0x90000046  }
0xb5: {  	s29 =	simm.s32 $0x9;
	_ =	strace $0x80000048  }
0xb6: {  	_ =	swait.ge [sflag:s29], $0x1  }
0xb7: {  	[sflag:s29] =	ssyncadd.s32 $0xFFFFFFFF  }
0xb8: {  	_ =	strace $0x90000048  }
0xb9: {  	_ =	sfence  }
0xba: {  	s30 =	sld [smem:$0x0];
	_ =	sdelay $0x2  }
0xbb: {  	s31 =	sshll.u32 s1, $0xD;
	s1 =	sshrl.u32 s1, $0x2  }
0xbc: {  	s3 =	sand.u32 $0x4000, s31;
	s1 =	sadd.s32 s1, s30  }
0xbd: {  	s0 =	sor.u32 s3, s0;
	s1 =	sshll.u32 s1, $0x11  }
0xbe: {  	s0 =	sor.u32 s1, s0  }
0xbf: {  	s0 =	sadd.s32 $0x8F2B, s0  }
0xc0: {  	[sflag:s0] =	ssyncadd.remote.s32 $0x1  }
0xc1: {  	_ =	sfence.sel $0xFFFF  }
0xc2: {  	[dreg:$0x0] =	wrdreg $0xFFFFFFFF;
	(pc) =	sbr.abs _section_cstart, $3  }
0xc3: {  	[dreg:$0x1] =	wrdreg $0xFFFFFFFF  }
0xc4: {  	_ =	task.clear_ibuf [dreg:s8], $0x2FFFF;
	_ =	strace $0x9FFFFFFF  }
0xc5: {  	(tm) =	ssettm $0x7FFFFFFF  }
tec
execute0_lowered:
.L_overlay_start_1:
0x0: {  	(tag) =	ssettag $0x1  }
0x1: {  	s0 =	rddreg [dreg:$0x0]  }
0x2: {  	s5 =	rddreg [dreg:$0x1]  }
0x3: {  	s8 =	rddreg [dreg:$0x2]  }
0x4: {  	s3 =	rddreg [dreg:$0x3]  }
0x5: {  	s1 =	srdreg.scid;
	s2 =	rddreg [dreg:$0x4];
	s4 =	simm.s32 $0x0  }
0x6: {  	s12 =	simm.s32 $0x2;
	s13 =	simm.s32 $0x80;
	s14 =	simm.s32 $0x50  }
0x7: {  	s15 =	simm.s32 $0x100;
	s16 =	simm.s32 $0x1;
	s6 =	sand.u32 $0x1, s1  }
0x8: {  	s17 =	simm.s32 $0x3100;
	s1 =	stileid.u32;
	s7 =	smul.u32 $0x27100, s6  }
0x9: {  	s18 =	simm.s32 $0x0;
	[smem:$0x7FF] =	sst s4;
	s9 =	smul.u32 $0x2710, s1  }
0xa: {  	s10 =	smul.u32 $0x138800, s6;
	s11 =	sshll.u32 s1, $0xB;
	s6 =	ssub.s32 $0x2, s6  }
0xb: {  	_ =	strace $0x80000047;
	p0 =	seq.s32 s1, $0x0;
	s31 =	sshrl.u32 s6, $0x1  }
0xc: {  	s7 =	sadd.s32 s9, s7;
	s25 =	sadd.s32 s11, s10;
	s11 =	simm.s32 $0x2900  }
0xd: {  	s26 =	sshrl.u32 s7, $0x3;
	s28 =	sshrl.u32 s25, $0x3;
	s7 =	ssub.s32 s6, s31  }
0xe: {  	s6 =	sshll.u32 s1, $0x4;
	s29 =	sadd.s32 s26, s5;
	s30 =	sadd.s32 s28, s5  }
0xf: {  	s5 =	simm.s32 $0x28;
	s7 =	smax.u32 s7, $0x1;
	s8 =	sadd.s32 s26, s8  }
0x10: {  	v0 =	vimm.f32 $0.0e+00;
	v1 =	vlaneseq.u32;
	vm0 =	vmmov $0xffff;
	s5 =	simm.s32 @!p0 $0x27;
	s9 =	sadd.s32 $0x1000, s29;
	s10 =	sadd.s32 $0xAE00, s30  }
.LBB2_1:
0x11: {  	s19 =	simm.s32 $0x0;
	s20 =	simm.s32 $0x200  }
.LBB2_2:
0x12: {  	p0 =	sne.s32 s20, $0x1E00;
	[tilespmem:s19+$0x2970] =	vst v0  }
0x13: {  	[tilespmem:s19+$0x2900] =	vst v0  }
0x14: {  	[tilespmem:s19+$0x2910] =	vst v0  }
.Ltmp0:
0x15: {  	[tilespmem:s19+$0x2920] =	vst v0;
	(pc) =	sbr.rel @p0 .LBB2_2-.Ltmp0, $4  }
0x16: {  	[tilespmem:s19+$0x2930] =	vst v0  }
0x17: {  	[tilespmem:s19+$0x2940] =	vst v0  }
0x18: {  	[tilespmem:s19+$0x2950] =	vst v0  }
0x19: {  	[tilespmem:s19+$0x2960] =	vst v0;
	s19 =	sshra.s32 s20, $0x2;
	s20 =	sadd.s32 $0x200, s20  }
0x1a: {  	[tilespmem:s19+$0x2970] =	vst v0  }
0x1b: {  	[tilespmem:s19+$0x2900] =	vst v0  }
0x1c: {  	[tilespmem:s19+$0x2910] =	vst v0  }
0x1d: {  	[tilespmem:s19+$0x2920] =	vst v0;
	v2 =	vor.u32 s6, v1;
	p0 =	sne.s32 s5, $0x1  }
.Ltmp1:
0x1e: {  	[tilespmem:s19+$0x2930] =	vst v0;
	(pc) =	sbr.rel @!p0 .LBB2_5-.Ltmp1, $4  }
0x1f: {  	[tilespmem:s19+$0x2940] =	vst v0  }
0x20: {  	[tilespmem:s19+$0x2950] =	vst v0  }
0x21: {  	[tilespmem:s19+$0x2960] =	vst v0;
	s19 =	sadd.s32 $0xFFFFFFFF, s5;
	s20 =	sadd.s32 $0x100, s6  }
0x22: {  	[spmem:s3] =	stream.indirect_vreg.scatter [tilespmem:s11], [sflag:$0x2], $0x80, v2, vm0, $0xb8;
	[tilespmem:$0x17180] =	vst v63  }
.LBB2_4:
0x23: {  	v3 =	vor.u32 s20, v1;
	p1 =	sne.s32 s19, $0x1  }
.Ltmp2:
0x24: {  	(pc) =	sbr.rel @p1 .LBB2_4-.Ltmp2, $4  }
0x25: {  	_ =	swait.ge [sflag:s12], $0x800  }
0x26: {  	s19 =	sadd.s32 $0xFFFFFFFF, s19;
	[sflag:s12] =	ssyncset.done $0x0  }
0x27: {  	s20 =	sadd.s32 $0x100, s20;
	[sflag:s12] =	ssyncadd.s32 $0xFFFFF800  }
0x28: {  	[spmem:s3] =	stream.indirect_vreg.scatter [tilespmem:s11], [sflag:$0x2], $0x80, v3, vm0, $0xb8;
	[tilespmem:$0x17180] =	vst v63  }
.LBB2_5:
0x29: {  	_ =	swait.ge [sflag:s12], $0x800  }
0x2a: {  	[sflag:s12] =	ssyncset.done $0x0  }
0x2b: {  	[sflag:s12] =	ssyncadd.s32 $0xFFFFF800  }
0x2c: {  	s19 =	sadd.s32 $0x0, s9;
	[bflag:$0x0] =	sbarrier.arrive $0xFFFF  }
0x2d: {  	[tilespmem:s4], [sflag:$0x2] =	stream.linear.gather [hbm4b:s19+s4], $0x50, $0x38;
	[tilespmem:$0x17180] =	vst v63  }
0x2e: {  	_ =	swait.ge [sflag:s12], $0x50  }
0x2f: {  	[sflag:s12] =	ssyncset.done $0x0  }
0x30: {  	s31 =	sadd.s32 $0x0, s8;
	[sflag:s12] =	ssyncadd.s32 $0xFFFFFFB0  }
0x31: {  	[tilespmem:s13], [sflag:$0x2] =	stream.linear.gather [hbm4b:s31+s4], $0x50, $0x38;
	[tilespmem:$0x17180] =	vst v63  }
0x32: {  	_ =	swait.ge [sflag:s12], $0x50  }
0x33: {  	[sflag:s12] =	ssyncset.done $0x0  }
0x34: {  	[sflag:s12] =	ssyncadd.s32 $0xFFFFFFB0  }
0x35: {  	[tilespmem:s15], [sflag:$0x1] =	stream.indirect.gather [hbm4b:s0+s14], $0x80, s4, s14, $0xb8;
	[tilespmem:$0x17180] =	vst v63  }
0x36: {  	_ =	swait.ge [sflag:s16], $0x2800  }
0x37: {  	[sflag:s16] =	ssyncset.done $0x0  }
0x38: {  	[sflag:s16] =	ssyncadd.s32 $0xFFFFD800  }
0x39: {  	[spmem:s3] =	stream.indirect.scatter.add.f32 [tilespmem:s15], [sflag:$0x2], $0x80, s13, s14, $0xb8;
	[tilespmem:$0x17180] =	vst v63  }
0x3a: {  	_ =	swait.ge [sflag:s12], $0x2800  }
0x3b: {  	s20 =	simm.s32 $0x14;
	s19 =	simm.s32 $0xA;
	[sflag:s12] =	ssyncset.done $0x0  }
.LBB2_6:
0x3c: {  	s21 =	sadd.s32 s19, s9  }
0x3d: {  	[sflag:s12] =	ssyncadd.s32 $0xFFFFD800;
	s22 =	smov.u32 s20;
	s23 =	sadd.s32 $0xA, s20  }
0x3e: {  	[tilespmem:s4], [sflag:$0x2] =	stream.linear.gather [hbm4b:s21+s4], $0x50, $0x38;
	[tilespmem:$0x17180] =	vst v63  }
0x3f: {  	p1 =	sne.s32 s20, $0x4D8;
	_ =	swait.ge [sflag:s12], $0x50  }
0x40: {  	[sflag:s12] =	ssyncset.done $0x0  }
0x41: {  	s20 =	sadd.s32 s19, s8;
	s19 =	smov.u32 s22;
	[sflag:s12] =	ssyncadd.s32 $0xFFFFFFB0  }
0x42: {  	[tilespmem:s13], [sflag:$0x2] =	stream.linear.gather [hbm4b:s20+s4], $0x50, $0x38;
	[tilespmem:$0x17180] =	vst v63  }
0x43: {  	_ =	swait.ge [sflag:s12], $0x50  }
0x44: {  	[sflag:s12] =	ssyncset.done $0x0  }
0x45: {  	[sflag:s12] =	ssyncadd.s32 $0xFFFFFFB0  }
0x46: {  	[tilespmem:s15], [sflag:$0x1] =	stream.indirect.gather [hbm4b:s0+s14], $0x80, s4, s14, $0xb8;
	[tilespmem:$0x17180] =	vst v63  }
0x47: {  	_ =	swait.ge [sflag:s16], $0x2800  }
.Ltmp3:
0x48: {  	[sflag:s16] =	ssyncset.done $0x0;
	(pc) =	sbr.rel @p1 .LBB2_6-.Ltmp3, $4  }
0x49: {  	[sflag:s16] =	ssyncadd.s32 $0xFFFFD800  }
0x4a: {  	[spmem:s3] =	stream.indirect.scatter.add.f32 [tilespmem:s15], [sflag:$0x2], $0x80, s13, s14, $0xb8;
	[tilespmem:$0x17180] =	vst v63  }
0x4b: {  	_ =	swait.ge [sflag:s12], $0x2800  }
0x4c: {  	s20 =	smov.u32 s23;
	[sflag:s12] =	ssyncset.done $0x0  }
0x4d: {  	s20 =	sadd.s32 s19, s9;
	[sflag:s12] =	ssyncadd.s32 $0xFFFFD800  }
0x4e: {  	[tilespmem:s4], [sflag:$0x2] =	stream.linear.gather [hbm4b:s20+s4], $0x50, $0x38;
	[tilespmem:$0x17180] =	vst v63  }
0x4f: {  	_ =	swait.ge [sflag:s12], $0x50  }
0x50: {  	[sflag:s12] =	ssyncset.done $0x0  }
0x51: {  	s31 =	sadd.s32 s19, s8;
	[sflag:s12] =	ssyncadd.s32 $0xFFFFFFB0  }
0x52: {  	[tilespmem:s13], [sflag:$0x2] =	stream.linear.gather [hbm4b:s31+s4], $0x50, $0x38;
	[tilespmem:$0x17180] =	vst v63  }
0x53: {  	_ =	swait.ge [sflag:s12], $0x50  }
0x54: {  	[sflag:s12] =	ssyncset.done $0x0  }
0x55: {  	[sflag:s12] =	ssyncadd.s32 $0xFFFFFFB0  }
0x56: {  	[tilespmem:s15], [sflag:$0x1] =	stream.indirect.gather [hbm4b:s0+s14], $0x80, s4, s14, $0xb8;
	[tilespmem:$0x17180] =	vst v63  }
0x57: {  	_ =	swait.ge [sflag:s16], $0x2800  }
0x58: {  	[sflag:s16] =	ssyncset.done $0x0  }
0x59: {  	[sflag:s16] =	ssyncadd.s32 $0xFFFFD800  }
0x5a: {  	[spmem:s3] =	stream.indirect.scatter.add.f32 [tilespmem:s15], [sflag:$0x2], $0x80, s13, s14, $0xb8;
	[tilespmem:$0x17180] =	vst v63  }
0x5b: {  	_ =	swait.ge [sflag:s12], $0x2800  }
0x5c: {  	[sflag:s12] =	ssyncset.done $0x0  }
.Ltmp4:
0x5d: {  	[sflag:s12] =	ssyncadd.s32 $0xFFFFD800;
	(pc) =	sbr.rel @!p0 .LBB2_11-.Ltmp4, $4  }
0x5e: {  	[bflag:$0x0] =	sbarrier.arrive $0xFFFF  }
0x5f: {  	[tilespmem:s17], [sflag:$0x1] =	stream.indirect_vreg.gather [spmem:s3], $0x80, v2, vm0, $0xb8;
	[tilespmem:$0x17180] =	vst v63  }
0x60: {  	s21 =	sadd.s32 $0x100, s6;
	p1 =	por $0x0, $0x0;
	_ =	swait.ge [sflag:s16], $0x800  }
0x61: {  	s19 =	smov.u32 s10;
	s20 =	sadd.s32 $0xFFFFFFFF, s5;
	[sflag:s16] =	ssyncset.done $0x0  }
0x62: {  	v2 =	vor.u32 s21, v1;
	[sflag:s16] =	ssyncadd.s32 $0xFFFFF800  }
0x63: {  	[hbm4b:s10+s4] =	stream.linear.scatter [tilespmem:s17], [sflag:$0x2], $0x800, $0x38;
	[tilespmem:$0x17180] =	vst v63  }
0x64: {  	p0 =	sne.s32 s20, $0x1;
	_ =	swait.ge [sflag:s12], $0x800  }
.Ltmp5:
0x65: {  	[sflag:s12] =	ssyncset.done $0x0;
	(pc) =	sbr.rel @!p0 .LBB2_9-.Ltmp5, $4  }
0x66: {  	[sflag:s12] =	ssyncadd.s32 $0xFFFFF800  }
0x67: {  	[tilespmem:s17], [sflag:$0x1] =	stream.indirect_vreg.gather [spmem:s3], $0x80, v2, vm0, $0xb8;
	[tilespmem:$0x17180] =	vst v63  }
0x68: {  	s20 =	sadd.s32 $0xFFFFFFFF, s20;
	s21 =	sadd.s32 $0x100, s21;
	_ =	swait.ge [sflag:s16], $0x800  }
0x69: {  	p1 =	por $0x1, $0x1;
	s19 =	smov.u32 s10;
	[sflag:s16] =	ssyncset.done $0x0  }
.LBB2_10:
0x6a: {  	v2 =	vor.u32 s21, v1;
	p0 =	sne.s32 s20, $0x1;
	[sflag:s16] =	ssyncadd.s32 $0xFFFFF800;
	s19 =	sadd.s32 $0x1000, s19  }
0x6b: {  	[hbm4b:s19+s4] =	stream.linear.scatter [tilespmem:s17], [sflag:$0x2], $0x800, $0x38;
	[tilespmem:$0x17180] =	vst v63  }
0x6c: {  	s20 =	sadd.s32 $0xFFFFFFFF, s20;
	_ =	swait.ge [sflag:s12], $0x800  }
.Ltmp6:
0x6d: {  	[sflag:s12] =	ssyncset.done $0x0;
	(pc) =	sbr.rel @p0 .LBB2_10-.Ltmp6, $4  }
0x6e: {  	[sflag:s12] =	ssyncadd.s32 $0xFFFFF800  }
0x6f: {  	[tilespmem:s17], [sflag:$0x1] =	stream.indirect_vreg.gather [spmem:s3], $0x80, v2, vm0, $0xb8;
	[tilespmem:$0x17180] =	vst v63  }
0x70: {  	_ =	swait.ge [sflag:s16], $0x800  }
0x71: {  	s21 =	sadd.s32 $0x100, s21;
	[sflag:s16] =	ssyncset.done $0x0  }
.LBB2_11:
0x72: {  	s19 =	sadd.s32 @p1 $0x1000, s19;
	s20 =	smov.u32 s10;
	s18 =	sadd.s32 $0x1, s18  }
0x73: {  	[sflag:s16] =	ssyncadd.s32 $0xFFFFF800;
	s20 =	smov.u32 @p1 s19;
	p0 =	sne.s32 s18, s7  }
0x74: {  	[hbm4b:s20+s4] =	stream.linear.scatter [tilespmem:s17], [sflag:$0x2], $0x800, $0x38;
	[tilespmem:$0x17180] =	vst v63  }
.Ltmp7:
0x75: {  	_ = 	snop;
	(pc) =	sbr.rel @p0 .LBB2_1-.Ltmp7, $4  }
.Ltmp8:
0x76: {  	_ = 	snop;
	(pc) =	sbr.rel @!p0 .LBB2_12-.Ltmp8, $4  }
0x77: {  	_ =	swait.ge [sflag:s12], $0x800  }
0x78: {  	[sflag:s12] =	ssyncset.done $0x0  }
0x79: {  	[sflag:s12] =	ssyncadd.s32 $0xFFFFF800  }
0x7a: {  	_ = 	snop  }
.LBB2_9:
.Ltmp9:
0x7b: {  	(pc) =	sbr.rel .LBB2_11-.Ltmp9, $2  }
0x7c: {  	_ =	sdelay $0x2  }
0x7d: {  	s19 =	smov.u32 s10  }
.LBB2_12:
0x7e: {  	_ =	sfence.sel $0x180000  }
0x7f: {  	[bflag:$0x0] =	sbarrier.arrive $0xFFFF  }
0x80: {  	p0 =	sne.s32 s1, $0x0;
	_ =	strace $0x90000047  }
0x81: {  	s0 =	sadd.s32 @!p0 $0x100000, s2;
	[bflag:$0x2] =	sbarrier.arrive $0xFFFF  }
0x82: {  	[sflag:s0] =	ssyncadd.tile.s32 @!p0 $0x1;
	_ =	shalt  }
.Lfunc_end2:
_tile_overlayer_lowered:
.L_overlay_start_2:
0x83: {  	(tag) =	ssettag $0x2  }
0x84: {  	s0 =	rddreg [dreg:$0x0];
	s2 =	stileid.u32  }
0x85: {  	s1 =	rddreg [dreg:$0x1];
	p0 =	sne.s32 s2, $0x0  }
0x86: {  	s3 =	rddreg [dreg:$0x2];
	[bflag:$0x3] =	sbarrier.arrive $0xFFFF;
	s2 =	simm.s32 @!p0 $0x1C02  }
0x87: {  	[timem:s3], [sflag:s2] =	dma.local @!p0 [hbm:s0], s1  }
0x88: {  	s0 =	simm.s32 @!p0 $0x2  }
0x89: {  	_ =	swait.ge @!p0 [sflag:s0], s1  }
0x8a: {  	s1 =	ssub.s32 @!p0 $0x0, s1;
	[sflag:s0] =	ssyncset.done @!p0 $0x0  }
0x8b: {  	[sflag:s0] =	ssyncadd.s32 @!p0 s1  }
0x8c: {  	[bflag:$0x3] =	sbarrier.arrive $0xFFFF  }
0x8d: {  	_ =	shalt  }

// kernel: kernel.8.cloned.1.call-start
scs
__scs_entry_jumppad:
0x0: {  	(pc) =	sbr.rel $0x88, $3  }
0x1: {  	(tag) =	ssettag $0x0;
	lr =	simm.s32 $0x1  }
0x2: {  	[smem:$0x3F9B] =	sst lr;
	_ =	strace $0xD0000000  }
0x3: {  	_ = 	snop  }
0x4: {  	_ = 	snop  }
0x5: {  	_ = 	snop  }
0x6: {  	_ = 	snop  }
0x7: {  	_ = 	snop  }
__scs_overlays_trampoline_lowered:
0x8: {  	[smem:$0x3FAA] =	sst s0  }
0x9: {  	[smem:$0x3FAB] =	sst s1  }
0xa: {  	[smem:$0x3FAC] =	sst s2  }
0xb: {  	[smem:$0x3FAD] =	sst s3  }
0xc: {  	[smem:$0x3FAE] =	sst s4  }
0xd: {  	[smem:$0x3FAF] =	sst s5  }
0xe: {  	[smem:$0x3FB0] =	sst s6  }
0xf: {  	[smem:$0x3FB1] =	sst s7  }
0x10: {  	[smem:$0x3FB2] =	sst s8  }
0x11: {  	[smem:$0x3FB3] =	sst s9;
	s0 =	simm.s32 @!p0 $0x0  }
0x12: {  	s1 =	sld [smem:$0x3F99];
	s0 =	simm.s32 @p0 $0x1  }
0x13: {  	[smem:$0x3FB4] =	sst s0;
	s0 =	simm.s32 @!p1 $0x0  }
0x14: {  	s2 =	sld [smem:$0x3F98];
	s0 =	simm.s32 @p1 $0x1  }
0x15: {  	[smem:$0x3FB5] =	sst s0;
	s0 =	simm.s32 @!p2 $0x0  }
0x16: {  	s3 =	sld [smem:$0x3FDB];
	s0 =	simm.s32 @p2 $0x1  }
0x17: {  	s4 =	simm.s32 $0x1BF5;
	[smem:$0x3FB7] =	sst s0  }
0x18: {  	s0 =	sld [smem:$0x3F9A];
	_ =	swait.ge [sflag:s4], $0x0  }
0x19: {  	s7 =	sld [smem:$0x3F9B]  }
0x1a: {  	s8 =	sadd.s32 $0xFFFFE003, lr  }
0x1b: {  	s9 =	sadd.s32 $0xFFFFFEF7, lr;
	s5 =	simm.s32 $0xFFFFFFFF;
	p2 =	slt.u32 s8, $0xFFFFF086  }
0x1c: {  	p1 =	slt.u32 s9, $0xF7A;
	s5 =	simm.s32 @!p2 $0x0  }
0x1d: {  	s5 =	simm.s32 @p1 $0x1;
	p0 =	seq.s32 s7, s2  }
0x1e: {  	s7 =	smul.u32 @!p0 $0xF7A, s2;
	p2 =	seq.s32 @!p0 s5, $0x0  }
0x1f: {  	s9 =	smul.u32 $0xF7A, s1;
	s8 =	simm.s32 @!p0 $0x1BF5;
	p2 =	por !p2, p0  }
0x20: {  	[sflag:s8] =	ssyncset.s32 @!p0 $0xFFFFF086;
	s6 =	sadd.s32 @!p0 s3, s7;
	s7 =	simm.s32 @!p0 $0x108  }
0x21: {  	s3 =	sadd.s32 s3, s9;
	s6 =	sadd.s32 @!p0 $0x88, s6;
	s7 =	simm.s32 @p2 $0x1082  }
0x22: {  	[simem:s7], [sflag:s8] =	dma.local @!p0 [hbm:s6], $0xF7A  }
0x23: {  	s9 =	sor.u32 $0xD0000000, s2;
	s6 =	simm.s32 $0x108;
	_ =	swait.ge @!p0 [sflag:s8], $0x0  }
0x24: {  	s3 =	sadd.s32 $0x88, s3;
	s6 =	simm.s32 @!p1 $0x1082;
	[sflag:s4] =	ssyncset.s32 $0xFFFFF086  }
0x25: {  	[simem:s6], [sflag:s4] =	dma.local [hbm:s3], $0xF7A  }
0x26: {  	[smem:$0x3F9B] =	sst s1;
	(tag) =	ssettag s2;
	_ =	strace s9  }
0x27: {  	s1 =	sld [smem:$0x3FAB]  }
0x28: {  	s2 =	sld [smem:$0x3FAC]  }
0x29: {  	s4 =	sld [smem:$0x3FAE]  }
0x2a: {  	p0 =	seq.s32 s5, $0x0;
	s5 =	sld [smem:$0x3FAF]  }
0x2b: {  	s6 =	sld [smem:$0x3FB0]  }
0x2c: {  	s7 =	sld [smem:$0x3FB1]  }
0x2d: {  	s3 =	simm.s32 $0x108;
	s8 =	sld [smem:$0x3FB2]  }
0x2e: {  	s3 =	simm.s32 @!p0 $0x1082;
	s9 =	sld [smem:$0x3FB3]  }
0x2f: {  	lr =	sadd.s32 s0, s3;
	s0 =	sld [smem:$0x3FAA]  }
0x30: {  	s3 =	sld [smem:$0x3FAD]  }
0x31: {  	[smem:$0x3FB6] =	sst s10  }
0x32: {  	s10 =	sld [smem:$0x3FB4];
	_ =	sdelay $0x3  }
0x33: {  	p0 =	seq.s32 s10, $0x1;
	s10 =	sld [smem:$0x3FB6];
	_ =	sdelay $0x3  }
0x34: {  	[smem:$0x3FB6] =	sst s10  }
0x35: {  	s10 =	sld [smem:$0x3FB5];
	_ =	sdelay $0x3  }
0x36: {  	p1 =	seq.s32 s10, $0x1;
	s10 =	sld [smem:$0x3FB6];
	_ =	sdelay $0x3  }
0x37: {  	[smem:$0x3FB6] =	sst s10  }
0x38: {  	s10 =	sld [smem:$0x3FB7]  }
0x39: {  	_ = 	snop;
	(pc) =	sbr.ind lr, $3  }
0x3a: {  	_ = 	snop  }
0x3b: {  	_ = 	snop  }
0x3c: {  	p2 =	seq.s32 s10, $0x1;
	s10 =	sld [smem:$0x3FB6]  }
0x3d: {  	_ =	shalt  }
0x3e: {  	_ =	shalt  }
0x3f: {  	_ =	shalt  }
0x40: {  	_ =	shalt  }
0x41: {  	_ =	shalt  }
0x42: {  	_ =	shalt  }
0x43: {  	_ =	shalt  }
0x44: {  	_ =	shalt  }
0x45: {  	_ =	shalt  }
0x46: {  	_ =	shalt  }
0x47: {  	_ =	shalt  }
0x48: {  	_ =	shalt  }
0x49: {  	_ =	shalt  }
0x4a: {  	_ =	shalt  }
0x4b: {  	_ =	shalt  }
0x4c: {  	_ =	shalt  }
0x4d: {  	_ =	shalt  }
0x4e: {  	_ =	shalt  }
0x4f: {  	_ =	shalt  }
0x50: {  	_ =	shalt  }
0x51: {  	_ =	shalt  }
0x52: {  	_ =	shalt  }
0x53: {  	_ =	shalt  }
0x54: {  	_ =	shalt  }
0x55: {  	_ =	shalt  }
0x56: {  	_ =	shalt  }
0x57: {  	_ =	shalt  }
0x58: {  	_ =	shalt  }
0x59: {  	_ =	shalt  }
0x5a: {  	_ =	shalt  }
0x5b: {  	_ =	shalt  }
0x5c: {  	_ =	shalt  }
0x5d: {  	_ =	shalt  }
0x5e: {  	_ =	shalt  }
0x5f: {  	_ =	shalt  }
0x60: {  	_ =	shalt  }
0x61: {  	_ =	shalt  }
0x62: {  	_ =	shalt  }
0x63: {  	_ =	shalt  }
0x64: {  	_ =	shalt  }
0x65: {  	_ =	shalt  }
0x66: {  	_ =	shalt  }
0x67: {  	_ =	shalt  }
0x68: {  	_ =	shalt  }
0x69: {  	_ =	shalt  }
0x6a: {  	_ =	shalt  }
0x6b: {  	_ =	shalt  }
0x6c: {  	_ =	shalt  }
0x6d: {  	_ =	shalt  }
0x6e: {  	_ =	shalt  }
0x6f: {  	_ =	shalt  }
0x70: {  	_ =	shalt  }
0x71: {  	_ =	shalt  }
0x72: {  	_ =	shalt  }
0x73: {  	_ =	shalt  }
0x74: {  	_ =	shalt  }
0x75: {  	_ =	shalt  }
0x76: {  	_ =	shalt  }
0x77: {  	_ =	shalt  }
0x78: {  	_ =	shalt  }
0x79: {  	_ =	shalt  }
0x7a: {  	_ =	shalt  }
0x7b: {  	_ =	shalt  }
0x7c: {  	_ =	shalt  }
0x7d: {  	_ =	shalt  }
0x7e: {  	_ =	shalt  }
0x7f: {  	_ =	shalt  }
0x80: {  	_ =	shalt  }
0x81: {  	_ =	shalt  }
0x82: {  	_ =	shalt  }
0x83: {  	_ =	shalt  }
0x84: {  	_ =	shalt  }
0x85: {  	_ =	shalt  }
0x86: {  	_ =	shalt  }
0x87: {  	_ =	shalt  }
.Lfunc_end0:
.L_simem_size_0:
called_computation.1_lowered:
.L_overlay_start_0:
0x88: {  	s2 =	sld [smem:$0x3FD9]  }
0x89: {  	s3 =	sld [smem:$0x3FFE];
	_ =	sdelay $0x1  }
0x8a: {  	s1 =	srdreg.scid  }
0x8b: {  	s0 =	sand.u32 $0x1, s1  }
0x8c: {  	s17 =	sshll.u32 s0, $0xA;
	s2 =	sadd.s32 s3, s2  }
0x8d: {  	s2 =	sadd.s32 s2, s17  }
0x8e: {  	[smem:$0x3FC2] =	sst s2  }
0x8f: {  	_ = 	snop  }
0x90: {  	s18 =	sld [smem:$0x3FD0];
	(tm) =	ssettm $0x1  }
0x91: {  	s19 =	sld [smem:$0x3FFB];
	_ =	sdelay $0x3  }
0x92: {  	_ =	strace s19  }
0x93: {  	s2 =	sld [smem:$0x3FFC];
	_ =	sdelay $0x3  }
0x94: {  	_ =	strace s2  }
0x95: {  	s2 =	sld [smem:$0x3FFD];
	_ =	sdelay $0x3  }
0x96: {  	_ =	strace s2  }
0x97: {  	_ =	strace $0x8FFFFFFF  }
0x98: {  	s20 =	sld [smem:$0x3FDB];
	_ =	sdelay $0x1  }
0x99: {  	s4 =	simm.s32 $_scs_section_size  }
0x9a: {  	s5 =	simm.s32 $_size__tile_overlayer_lowered;
	s6 =	simm.s32 $_tile_overlayer_lowered  }
0x9b: {  	s7 =	simm.s32 $0x1BFF;
	s21 =	sshll.u32 s6, $0x1;
	s4 =	sadd.s32 s4, s20  }
0x9c: {  	s22 =	simm.s32 $0x0;
	s5 =	sshll.u32 s5, $0x1;
	s6 =	sadd.s32 s21, s4  }
0x9d: {  	[timem:s22], [sflag:s7] =	dma.local [hbm:s6], s5  }
0x9e: {  	_ =	swait.ge [sflag:s7], s5  }
0x9f: {  	s5 =	ssub.s32 $0x0, s5;
	[sflag:s7] =	ssyncset.done $0x0  }
0xa0: {  	[sflag:s7] =	ssyncadd.s32 s5;
	_ =	sdelay $0x1  }
0xa1: {  	s23 =	simm.s32 $0x1B8B  }
0xa2: {  	_ =	swait.ge [sflag:s23], $0x1  }
0xa3: {  	[sflag:s23] =	ssyncset.done $0x0  }
0xa4: {  	[sflag:s23] =	ssyncadd.s32 $0xFFFFFFFF  }
0xa5: {  	s5 =	sld [smem:$0x0]  }
0xa6: {  	s6 =	sand.u32 $0xFFFFFFFE, s1  }
0xa7: {  	p0 =	sne.s32 s1, s6  }
0xa8: {  	s6 =	sshll.u32 @p0 s6, $0xE  }
0xa9: {  	s6 =	sadd.s32 @p0 $0x11B8D, s6;
	s7 =	sshll.u32 @p0 s5, $0x11  }
0xaa: {  	s6 =	sor.u32 @p0 s7, s6  }
0xab: {  	[sflag:s6] =	ssyncadd.remote.s32 @p0 $0x1;
	_ =	sdelay $0x1  }
0xac: {  	s6 =	simm.s32 @p0 $0x1B8D  }
0xad: {  	_ =	swait.eq @p0 [sflag:s6], $0x1  }
0xae: {  	[sflag:s6] =	ssyncadd.s32 @p0 $0xFFFFFFFF  }
0xaf: {  	s7 =	sshll.u32 @!p0 s1, $0xE  }
0xb0: {  	s7 =	sor.u32 @!p0 $0x4000, s7;
	s6 =	simm.s32 @!p0 $0x1B8D  }
0xb1: {  	s5 =	sshll.u32 @!p0 s5, $0x11;
	s7 =	sadd.s32 @!p0 $0x11B8D, s7;
	_ =	swait.eq @!p0 [sflag:s6], $0x1  }
0xb2: {  	s5 =	sor.u32 @!p0 s5, s7;
	[sflag:s6] =	ssyncadd.s32 @!p0 $0xFFFFFFFF  }
0xb3: {  	s25 =	simm.s32 $0x1B8E;
	s24 =	sld [smem:$0x3FFE];
	[sflag:s5] =	ssyncadd.remote.s32 @!p0 $0x1  }
0xb4: {  	s26 =	simm.s32 $execute0_lowered;
	[smem:$0x3FD2] =	sst s25  }
0xb5: {  	s6 =	sshll.u32 s26, $0x1;
	_ =	strace $0x80000049;
	[dreg:$0x1] =	wrdreg $0xFFFFFFFF  }
0xb6: {  	s28 =	simm.s32 $_size_execute0_lowered;
	s4 =	sadd.s32 s4, s6;
	[dreg:$0x0] =	wrdreg $0x0  }
0xb7: {  	s6 =	sshll.u32 s28, $0x1;
	[dreg:$0x2] =	wrdreg s4  }
0xb8: {  	[dreg:$0x3] =	wrdreg s6  }
0xb9: {  	[dreg:$0x4] =	wrdreg $0xC0  }
0xba: {  	_ =	task [dreg:s22], $0x5FFFF  }
0xbb: {  	[dreg:$0x1] =	wrdreg $0xFFFFFFFF  }
0xbc: {  	[dreg:$0x0] =	wrdreg $0x60  }
0xbd: {  	[dreg:$0x2] =	wrdreg s18  }
0xbe: {  	[dreg:$0x3] =	wrdreg s24  }
0xbf: {  	[dreg:$0x4] =	wrdreg $0x38800  }
0xc0: {  	[dreg:$0x5] =	wrdreg $0xA  }
0xc1: {  	_ =	task.clear_ibuf [dreg:s22], $0x6FFFF;
	_ =	strace $0x90000049  }
0xc2: {  	s29 =	simm.s32 $0xA;
	_ =	strace $0x8000004B  }
0xc3: {  	_ =	swait.ge [sflag:s29], $0x1  }
0xc4: {  	[sflag:s29] =	ssyncadd.s32 $0xFFFFFFFF  }
0xc5: {  	_ =	strace $0x9000004B  }
0xc6: {  	_ =	sfence  }
0xc7: {  	s30 =	sld [smem:$0x0];
	_ =	sdelay $0x2  }
0xc8: {  	s31 =	sshll.u32 s1, $0xD;
	s1 =	sshrl.u32 s1, $0x2  }
0xc9: {  	s4 =	sand.u32 $0x4000, s31;
	s1 =	sadd.s32 s1, s30  }
0xca: {  	s0 =	sor.u32 s4, s0;
	s1 =	sshll.u32 s1, $0x11  }
0xcb: {  	s0 =	sor.u32 s1, s0  }
0xcc: {  	s0 =	sadd.s32 $0x8F2B, s0  }
0xcd: {  	[sflag:s0] =	ssyncadd.remote.s32 $0x1  }
0xce: {  	_ =	sfence.sel $0xFFFF  }
0xcf: {  	[dreg:$0x0] =	wrdreg $0xFFFFFFFF;
	(pc) =	sbr.abs _section_cstart, $3  }
0xd0: {  	[dreg:$0x1] =	wrdreg $0xFFFFFFFF  }
0xd1: {  	_ =	task.clear_ibuf [dreg:s22], $0x2FFFF;
	_ =	strace $0x9FFFFFFF  }
0xd2: {  	(tm) =	ssettm $0x7FFFFFFF  }
0xd3: {  	_ =	shalt  }
tec
execute0_lowered:
.L_overlay_start_1:
0x0: {  	(tag) =	ssettag $0x1  }
0x1: {  	s7 =	rddreg [dreg:$0x0]  }
0x2: {  	s4 =	rddreg [dreg:$0x1];
	s0 =	srdreg.scid  }
0x3: {  	s2 =	rddreg [dreg:$0x2];
	s1 =	stileid.u32;
	s3 =	simm.s32 $0x0  }
0x4: {  	s11 =	simm.s32 $0x50;
	s12 =	simm.s32 $0x80;
	s13 =	simm.s32 $0x3080  }
0x5: {  	s14 =	simm.s32 $0x1;
	s15 =	simm.s32 $0x0;
	s5 =	sand.u32 $0x1, s0  }
0x6: {  	s0 =	rddreg [dreg:$0x3];
	s8 =	sshll.u32 s1, $0xB;
	s6 =	smul.u32 $0x138800, s5  }
0x7: {  	[smem:$0x7FF] =	sst s3;
	s30 =	smul.u32 $0x27100, s5;
	s5 =	ssub.s32 $0x2, s5  }
0x8: {  	s31 =	smul.u32 $0x2710, s1;
	p0 =	seq.s32 s1, $0x0;
	s10 =	sshrl.u32 s5, $0x1  }
0x9: {  	_ =	strace $0x8000004A;
	s6 =	sadd.s32 s8, s6;
	s10 =	ssub.s32 s5, s10  }
0xa: {  	s8 =	sadd.s32 s31, s30;
	s5 =	sshll.u32 s1, $0x4;
	s6 =	sshrl.u32 s6, $0x3  }
0xb: {  	s8 =	sshrl.u32 s8, $0x3;
	s9 =	sadd.s32 s6, s4;
	s4 =	simm.s32 $0x28  }
0xc: {  	v0 =	vimm.f32 $0.0e+00;
	s6 =	smax.u32 s10, $0x1;
	s7 =	sadd.s32 s8, s7;
	s10 =	simm.s32 $0x2  }
0xd: {  	v1 =	vimm.f32 $1.000000000e+00;
	v2 =	vlaneseq.u32;
	vm0 =	vmmov $0xffff;
	s4 =	simm.s32 @!p0 $0x27;
	s8 =	sadd.s32 $0x59000, s9;
	s9 =	simm.s32 $0x2880  }
.LBB2_1:
0xe: {  	s16 =	simm.s32 $0x0;
	s17 =	simm.s32 $0x200  }
.LBB2_2:
0xf: {  	p0 =	sne.s32 s17, $0x1E00;
	[tilespmem:s16+$0x28F0] =	vst v0  }
0x10: {  	[tilespmem:s16+$0x2880] =	vst v0  }
0x11: {  	[tilespmem:s16+$0x2890] =	vst v0  }
.Ltmp0:
0x12: {  	[tilespmem:s16+$0x28A0] =	vst v0;
	(pc) =	sbr.rel @p0 .LBB2_2-.Ltmp0, $4  }
0x13: {  	[tilespmem:s16+$0x28B0] =	vst v0  }
0x14: {  	[tilespmem:s16+$0x28C0] =	vst v0  }
0x15: {  	[tilespmem:s16+$0x28D0] =	vst v0  }
0x16: {  	[tilespmem:s16+$0x28E0] =	vst v0;
	s16 =	sshra.s32 s17, $0x2;
	s17 =	sadd.s32 $0x200, s17  }
0x17: {  	[tilespmem:s16+$0x28F0] =	vst v0  }
0x18: {  	[tilespmem:s16+$0x2880] =	vst v0  }
0x19: {  	[tilespmem:s16+$0x2890] =	vst v0  }
0x1a: {  	[tilespmem:s16+$0x28A0] =	vst v0  }
0x1b: {  	[tilespmem:s16+$0x28B0] =	vst v0  }
0x1c: {  	[tilespmem:s16+$0x28C0] =	vst v0  }
0x1d: {  	[tilespmem:s16+$0x28D0] =	vst v0  }
0x1e: {  	[tilespmem:s16+$0x28E0] =	vst v0;
	s16 =	simm.s32 $0x0;
	s17 =	simm.s32 $0x200  }
.LBB2_4:
0x1f: {  	p0 =	sne.s32 s17, $0x9E00;
	[tilespmem:s16+$0xF0] =	vst v1  }
0x20: {  	[tilespmem:s16+$0x80] =	vst v1  }
0x21: {  	[tilespmem:s16+$0x90] =	vst v1  }
.Ltmp1:
0x22: {  	[tilespmem:s16+$0xA0] =	vst v1;
	(pc) =	sbr.rel @p0 .LBB2_4-.Ltmp1, $4  }
0x23: {  	[tilespmem:s16+$0xB0] =	vst v1  }
0x24: {  	[tilespmem:s16+$0xC0] =	vst v1  }
0x25: {  	[tilespmem:s16+$0xD0] =	vst v1  }
0x26: {  	[tilespmem:s16+$0xE0] =	vst v1;
	s16 =	sshra.s32 s17, $0x2;
	s17 =	sadd.s32 $0x200, s17  }
0x27: {  	[tilespmem:s16+$0xF0] =	vst v1  }
0x28: {  	[tilespmem:s16+$0x80] =	vst v1  }
0x29: {  	[tilespmem:s16+$0x90] =	vst v1  }
0x2a: {  	[tilespmem:s16+$0xA0] =	vst v1;
	v3 =	vor.u32 s5, v2;
	p0 =	sne.s32 s4, $0x1  }
.Ltmp2:
0x2b: {  	[tilespmem:s16+$0xB0] =	vst v1;
	(pc) =	sbr.rel @!p0 .LBB2_7-.Ltmp2, $4  }
0x2c: {  	[tilespmem:s16+$0xC0] =	vst v1  }
0x2d: {  	[tilespmem:s16+$0xD0] =	vst v1  }
0x2e: {  	[tilespmem:s16+$0xE0] =	vst v1;
	s16 =	sadd.s32 $0xFFFFFFFF, s4;
	s17 =	sadd.s32 $0x100, s5  }
0x2f: {  	[spmem:s2] =	stream.indirect_vreg.scatter [tilespmem:s9], [sflag:$0x2], $0x80, v3, vm0, $0xb8;
	[tilespmem:$0x17100] =	vst v63  }
.LBB2_6:
0x30: {  	v4 =	vor.u32 s17, v2;
	p1 =	sne.s32 s16, $0x1  }
.Ltmp3:
0x31: {  	(pc) =	sbr.rel @p1 .LBB2_6-.Ltmp3, $4  }
0x32: {  	_ =	swait.ge [sflag:s10], $0x800  }
0x33: {  	s16 =	sadd.s32 $0xFFFFFFFF, s16;
	[sflag:s10] =	ssyncset.done $0x0  }
0x34: {  	s17 =	sadd.s32 $0x100, s17;
	[sflag:s10] =	ssyncadd.s32 $0xFFFFF800  }
0x35: {  	[spmem:s2] =	stream.indirect_vreg.scatter [tilespmem:s9], [sflag:$0x2], $0x80, v4, vm0, $0xb8;
	[tilespmem:$0x17100] =	vst v63  }
.LBB2_7:
0x36: {  	_ =	swait.ge [sflag:s10], $0x800  }
0x37: {  	[sflag:s10] =	ssyncset.done $0x0  }
0x38: {  	[sflag:s10] =	ssyncadd.s32 $0xFFFFF800  }
0x39: {  	s16 =	sadd.s32 $0x0, s7;
	[bflag:$0x0] =	sbarrier.arrive $0xFFFF  }
0x3a: {  	[tilespmem:s3], [sflag:$0x2] =	stream.linear.gather [hbm4b:s16+s3], $0x50, $0x38;
	[tilespmem:$0x17100] =	vst v63  }
0x3b: {  	_ =	swait.ge [sflag:s10], $0x50  }
0x3c: {  	[sflag:s10] =	ssyncset.done $0x0  }
0x3d: {  	[sflag:s10] =	ssyncadd.s32 $0xFFFFFFB0  }
0x3e: {  	[spmem:s2] =	stream.indirect.scatter.add.f32 [tilespmem:s12], [sflag:$0x2], $0x80, s3, s11, $0xb8;
	[tilespmem:$0x17100] =	vst v63  }
0x3f: {  	_ =	swait.ge [sflag:s10], $0x2800  }
0x40: {  	s17 =	simm.s32 $0x14;
	s16 =	simm.s32 $0xA;
	[sflag:s10] =	ssyncset.done $0x0  }
.LBB2_8:
0x41: {  	s18 =	sadd.s32 s16, s7  }
0x42: {  	[sflag:s10] =	ssyncadd.s32 $0xFFFFD800;
	s16 =	smov.u32 s17;
	s19 =	sadd.s32 $0xA, s17  }
0x43: {  	[tilespmem:s3], [sflag:$0x2] =	stream.linear.gather [hbm4b:s18+s3], $0x50, $0x38;
	[tilespmem:$0x17100] =	vst v63  }
0x44: {  	p1 =	sne.s32 s17, $0x4D8;
	_ =	swait.ge [sflag:s10], $0x50  }
.Ltmp4:
0x45: {  	[sflag:s10] =	ssyncset.done $0x0;
	(pc) =	sbr.rel @p1 .LBB2_8-.Ltmp4, $4  }
0x46: {  	[sflag:s10] =	ssyncadd.s32 $0xFFFFFFB0  }
0x47: {  	[spmem:s2] =	stream.indirect.scatter.add.f32 [tilespmem:s12], [sflag:$0x2], $0x80, s3, s11, $0xb8;
	[tilespmem:$0x17100] =	vst v63  }
0x48: {  	_ =	swait.ge [sflag:s10], $0x2800  }
0x49: {  	s17 =	smov.u32 s19;
	[sflag:s10] =	ssyncset.done $0x0  }
0x4a: {  	s16 =	sadd.s32 s16, s7;
	[sflag:s10] =	ssyncadd.s32 $0xFFFFD800  }
0x4b: {  	[tilespmem:s3], [sflag:$0x2] =	stream.linear.gather [hbm4b:s16+s3], $0x50, $0x38;
	[tilespmem:$0x17100] =	vst v63  }
0x4c: {  	_ =	swait.ge [sflag:s10], $0x50  }
0x4d: {  	[sflag:s10] =	ssyncset.done $0x0  }
0x4e: {  	[sflag:s10] =	ssyncadd.s32 $0xFFFFFFB0  }
0x4f: {  	[spmem:s2] =	stream.indirect.scatter.add.f32 [tilespmem:s12], [sflag:$0x2], $0x80, s3, s11, $0xb8;
	[tilespmem:$0x17100] =	vst v63  }
0x50: {  	_ =	swait.ge [sflag:s10], $0x2800  }
0x51: {  	[sflag:s10] =	ssyncset.done $0x0  }
.Ltmp5:
0x52: {  	[sflag:s10] =	ssyncadd.s32 $0xFFFFD800;
	(pc) =	sbr.rel @!p0 .LBB2_13-.Ltmp5, $4  }
0x53: {  	[bflag:$0x0] =	sbarrier.arrive $0xFFFF  }
0x54: {  	[tilespmem:s13], [sflag:$0x1] =	stream.indirect_vreg.gather [spmem:s2], $0x80, v3, vm0, $0xb8;
	[tilespmem:$0x17100] =	vst v63  }
0x55: {  	s17 =	sadd.s32 $0xFFFFFFFF, s4;
	s18 =	sadd.s32 $0x100, s5;
	_ =	swait.ge [sflag:s14], $0x800  }
0x56: {  	p1 =	por $0x0, $0x0;
	s16 =	smov.u32 s8;
	[sflag:s14] =	ssyncset.done $0x0  }
0x57: {  	v3 =	vor.u32 s18, v2;
	[sflag:s14] =	ssyncadd.s32 $0xFFFFF800  }
0x58: {  	[hbm4b:s8+s3] =	stream.linear.scatter [tilespmem:s13], [sflag:$0x2], $0x800, $0x38;
	[tilespmem:$0x17100] =	vst v63  }
0x59: {  	p0 =	sne.s32 s17, $0x1;
	_ =	swait.ge [sflag:s10], $0x800  }
.Ltmp6:
0x5a: {  	[sflag:s10] =	ssyncset.done $0x0;
	(pc) =	sbr.rel @!p0 .LBB2_11-.Ltmp6, $4  }
0x5b: {  	[sflag:s10] =	ssyncadd.s32 $0xFFFFF800  }
0x5c: {  	[tilespmem:s13], [sflag:$0x1] =	stream.indirect_vreg.gather [spmem:s2], $0x80, v3, vm0, $0xb8;
	[tilespmem:$0x17100] =	vst v63  }
0x5d: {  	s17 =	sadd.s32 $0xFFFFFFFF, s17;
	s18 =	sadd.s32 $0x100, s18;
	_ =	swait.ge [sflag:s14], $0x800  }
0x5e: {  	p1 =	por $0x1, $0x1;
	s16 =	smov.u32 s8;
	[sflag:s14] =	ssyncset.done $0x0  }
.LBB2_12:
0x5f: {  	v3 =	vor.u32 s18, v2;
	p0 =	sne.s32 s17, $0x1;
	[sflag:s14] =	ssyncadd.s32 $0xFFFFF800;
	s16 =	sadd.s32 $0x1000, s16  }
0x60: {  	[hbm4b:s16+s3] =	stream.linear.scatter [tilespmem:s13], [sflag:$0x2], $0x800, $0x38;
	[tilespmem:$0x17100] =	vst v63  }
0x61: {  	s17 =	sadd.s32 $0xFFFFFFFF, s17;
	_ =	swait.ge [sflag:s10], $0x800  }
.Ltmp7:
0x62: {  	[sflag:s10] =	ssyncset.done $0x0;
	(pc) =	sbr.rel @p0 .LBB2_12-.Ltmp7, $4  }
0x63: {  	[sflag:s10] =	ssyncadd.s32 $0xFFFFF800  }
0x64: {  	[tilespmem:s13], [sflag:$0x1] =	stream.indirect_vreg.gather [spmem:s2], $0x80, v3, vm0, $0xb8;
	[tilespmem:$0x17100] =	vst v63  }
0x65: {  	_ =	swait.ge [sflag:s14], $0x800  }
0x66: {  	s18 =	sadd.s32 $0x100, s18;
	[sflag:s14] =	ssyncset.done $0x0  }
.LBB2_13:
0x67: {  	s16 =	sadd.s32 @p1 $0x1000, s16;
	s17 =	smov.u32 s8;
	s15 =	sadd.s32 $0x1, s15  }
0x68: {  	[sflag:s14] =	ssyncadd.s32 $0xFFFFF800;
	s17 =	smov.u32 @p1 s16;
	p0 =	sne.s32 s15, s6  }
0x69: {  	[hbm4b:s17+s3] =	stream.linear.scatter [tilespmem:s13], [sflag:$0x2], $0x800, $0x38;
	[tilespmem:$0x17100] =	vst v63  }
.Ltmp8:
0x6a: {  	_ = 	snop;
	(pc) =	sbr.rel @p0 .LBB2_1-.Ltmp8, $4  }
.Ltmp9:
0x6b: {  	_ = 	snop;
	(pc) =	sbr.rel @!p0 .LBB2_14-.Ltmp9, $4  }
0x6c: {  	_ =	swait.ge [sflag:s10], $0x800  }
0x6d: {  	[sflag:s10] =	ssyncset.done $0x0  }
0x6e: {  	[sflag:s10] =	ssyncadd.s32 $0xFFFFF800  }
0x6f: {  	_ = 	snop  }
.LBB2_11:
.Ltmp10:
0x70: {  	(pc) =	sbr.rel .LBB2_13-.Ltmp10, $2  }
0x71: {  	_ =	sdelay $0x2  }
0x72: {  	s16 =	smov.u32 s8  }
.LBB2_14:
0x73: {  	_ =	sfence.sel $0x180000  }
0x74: {  	[bflag:$0x0] =	sbarrier.arrive $0xFFFF  }
0x75: {  	p0 =	sne.s32 s1, $0x0;
	_ =	strace $0x9000004A  }
0x76: {  	s0 =	sadd.s32 @!p0 $0x100000, s0;
	[bflag:$0x2] =	sbarrier.arrive $0xFFFF  }
0x77: {  	[sflag:s0] =	ssyncadd.tile.s32 @!p0 $0x1;
	_ =	shalt  }
.Lfunc_end2:
_tile_overlayer_lowered:
.L_overlay_start_2:
0x78: {  	(tag) =	ssettag $0x2  }
0x79: {  	s0 =	rddreg [dreg:$0x0];
	s2 =	stileid.u32  }
0x7a: {  	s1 =	rddreg [dreg:$0x1];
	p0 =	sne.s32 s2, $0x0  }
0x7b: {  	s3 =	rddreg [dreg:$0x2];
	[bflag:$0x3] =	sbarrier.arrive $0xFFFF;
	s2 =	simm.s32 @!p0 $0x1C02  }
0x7c: {  	[timem:s3], [sflag:s2] =	dma.local @!p0 [hbm:s0], s1  }
0x7d: {  	s0 =	simm.s32 @!p0 $0x2  }
0x7e: {  	_ =	swait.ge @!p0 [sflag:s0], s1  }
0x7f: {  	s1 =	ssub.s32 @!p0 $0x0, s1;
	[sflag:s0] =	ssyncset.done @!p0 $0x0  }
0x80: {  	[sflag:s0] =	ssyncadd.s32 @!p0 s1  }
0x81: {  	[bflag:$0x3] =	sbarrier.arrive $0xFFFF  }
0x82: {  	_ =	shalt  }

</sc_bundles>
